<compile_context>
chip_gen: v7x
topology: tpu7x:2x2x1
jax: 0.10.2.dev20260603
libtpu: 0.0.44.dev20260713+nightly
codegen_flags: <defaults>
</compile_context>

<pallas_src>
import functools

import jax
import jax.numpy as jnp
from jax import lax
from jax.experimental import pallas as pl
from jax.experimental.pallas import tpu as pltpu
from jax.experimental.pallas import tpu_sc as plsc

_EPS = 1.1920929e-07
_K = 10
_BLK = 512


def _topk_body(nblocks, nrows, u_ref, e_ref, w_ref, i_ref, unt_ref, s_ref,
               rv_ref, ri_ref):
    g = pl.program_id(0)
    q = u_ref.shape[0]
    blk = e_ref.shape[0]

    @pl.when(g == 0)
    def _init():
        u = u_ref[...]
        nrm = jnp.sqrt(jnp.sum(u * u, axis=1, keepdims=True))
        un = u / jnp.maximum(nrm, 1e-12)
        unt_ref[...] = un.T
        rv_ref[...] = jnp.full_like(rv_ref, -jnp.inf)
        ri_ref[...] = jnp.zeros_like(ri_ref)

    ridx = g * blk + lax.broadcasted_iota(jnp.int32, (blk, 1), 0)
    e = e_ref[...]
    ss = jnp.sum(e * e, axis=1, keepdims=True)
    en = e / jnp.maximum(jnp.sqrt(ss), 1e-12)
    en = jnp.where(ridx < nrows, en, 0.0)
    s = lax.dot_general(
        en, unt_ref[...], (((1,), (0,)), ((), ())),
        preferred_element_type=jnp.float32,
    )

    t = rv_ref[_K - 1:_K, :]
    cnt = jnp.sum((s > t).astype(jnp.int32), axis=0)
    m_iters = jnp.minimum(jnp.max(cnt), _K)
    s_ref[...] = s

    big_i = jnp.int32(2**31 - 1)
    slane10 = lax.broadcasted_iota(jnp.int32, (_K, 1), 0)

    def _extract(j, carry):
        bv, bi = carry
        v = s_ref[...]
        m = jnp.max(v, axis=0, keepdims=True)
        idxc = jnp.where(v >= m, ridx, big_i)
        cidx = jnp.min(idxc, axis=0, keepdims=True)
        s_ref[...] = jnp.where(idxc == cidx, -jnp.inf, v)
        bv = jnp.where(slane10 == j, m, bv)
        bi = jnp.where(slane10 == j, cidx, bi)
        return bv, bi

    bv0 = jnp.full((_K, q), -jnp.inf, dtype=jnp.float32)
    bi0 = jnp.full((_K, q), big_i, dtype=jnp.int32)
    bv, bi = lax.fori_loop(0, m_iters, _extract, (bv0, bi0))

    cv = jnp.concatenate([rv_ref[...], bv], axis=0)
    ci = jnp.concatenate([ri_ref[...], bi], axis=0)
    nv, ni = [], []
    for _ in range(_K):
        m = jnp.max(cv, axis=0, keepdims=True)
        sel = cv >= m
        cidx = jnp.min(jnp.where(sel, ci, big_i), axis=0, keepdims=True)
        nv.append(m)
        ni.append(cidx)
        cv = jnp.where(sel & (ci == cidx), -jnp.inf, cv)

    rv_ref[...] = jnp.concatenate(nv, axis=0)
    ri_ref[...] = jnp.concatenate(ni, axis=0)

    @pl.when(g == nblocks - 1)
    def _fin():
        sim = rv_ref[...]
        w = 1.0 / ((1.0 - sim) + _EPS)
        w_ref[...] = w / jnp.sum(w, axis=0, keepdims=True)
        i_ref[...] = ri_ref[...]


def _topk_call(users_explicit, explicit):
    q, d = users_explicit.shape
    n = explicit.shape[0]
    nblocks = (n + _BLK - 1) // _BLK
    return pl.pallas_call(
        functools.partial(_topk_body, nblocks, n),
        grid=(nblocks,),
        in_specs=[
            pl.BlockSpec((q, d), lambda g: (0, 0)),
            pl.BlockSpec((_BLK, d), lambda g: (g, 0)),
        ],
        out_specs=[
            pl.BlockSpec((_K, q), lambda g: (0, 0)),
            pl.BlockSpec((_K, q), lambda g: (0, 0)),
        ],
        out_shape=[
            jax.ShapeDtypeStruct((_K, q), jnp.float32),
            jax.ShapeDtypeStruct((_K, q), jnp.int32),
        ],
        scratch_shapes=[
            pltpu.VMEM((d, q), jnp.float32),
            pltpu.VMEM((_BLK, q), jnp.float32),
            pltpu.VMEM((_K, q), jnp.float32),
            pltpu.VMEM((_K, q), jnp.int32),
        ],
    )(users_explicit, explicit)


def _sc_gather(table, idx):
    b = idx.shape[0]
    n, d = table.shape
    info = plsc.get_sparse_core_info()
    nw = info.num_cores * info.num_subcores
    b_per_w = b // nw
    mesh = plsc.VectorSubcoreMesh(core_axis_name="c", subcore_axis_name="s")

    @functools.partial(
        pl.kernel,
        mesh=mesh,
        out_type=jax.ShapeDtypeStruct((b, d), jnp.float32),
        scratch_types=[
            pltpu.VMEM((b_per_w,), jnp.int32),
            pltpu.VMEM((b_per_w, d), jnp.float32),
            pltpu.SemaphoreType.DMA,
        ],
    )
    def gather_k(table_hbm, idx_hbm, out_hbm, idx_v, rows_v, sem):
        wid = lax.axis_index("s") * info.num_cores + lax.axis_index("c")
        base = wid * b_per_w
        pltpu.sync_copy(idx_hbm.at[pl.ds(base, b_per_w)], idx_v)
        pltpu.async_copy(table_hbm.at[idx_v], rows_v, sem).wait()
        pltpu.sync_copy(rows_v, out_hbm.at[pl.ds(base, b_per_w)])

    return gather_k(table, idx)


def _combine_body(rows_ref, w_ref, out_ref):
    rows = rows_ref[...]
    w = w_ref[...]
    out_ref[...] = jnp.sum(w[:, :, None] * rows, axis=1)


def _combine_call(rows, w):
    q, k, d = rows.shape
    return pl.pallas_call(
        _combine_body,
        out_shape=jax.ShapeDtypeStruct((q, d), jnp.float32),
    )(rows, w)


def kernel(users_explicit, explicit):
    q, d = users_explicit.shape
    wt, idxt = _topk_call(users_explicit, explicit)
    idx = idxt.T
    rows = _sc_gather(explicit, idx.reshape(-1))
    return _combine_call(rows.reshape(q, _K, d), wt.T)

# --- scband reference (transcript-rebuilt; emitter-appended) ---
"""Pipeline reference for scband-recommender-module-base-43688407335273 (READ-ONLY COPY).

The authoritative reference and input builder live on the scoring server;
editing this copy changes nothing except your own understanding.
"""

import jax, jax.numpy as jnp
import numpy as np

N_USERS = 100000
N_ITEMS = 256
Q = 1024
K_NEIGHBOURS = 10
EPS = 1.1920929e-07  # torch.finfo(torch.float32).eps


def setup_inputs(seed: int = 0) -> dict:
    key = jax.random.key(seed)
    k1, k2 = jax.random.split(key)
    users_explicit = jax.random.uniform(k1, (Q, N_ITEMS), dtype=jnp.float32)
    explicit = jax.random.uniform(k2, (N_USERS, N_ITEMS), dtype=jnp.float32)
    return {"users_explicit": users_explicit, "explicit": explicit}


def _cosine_distance(a, b):
    # 1 - cosine similarity, computed row-wise between all pairs
    a_n = a / jnp.clip(jnp.linalg.norm(a, axis=-1, keepdims=True), 1e-12)
    b_n = b / jnp.clip(jnp.linalg.norm(b, axis=-1, keepdims=True), 1e-12)
    return 1.0 - a_n @ b_n.T


def reference(users_explicit, explicit):
    # online_nn_ratings: the canonical computation of RecommenderModuleBase's
    # fallback online_ratings path (forward/online_ratings delegate here).
    # 1) cosine distance between new users' explicit feedback and stored explicit matrix
    distances = _cosine_distance(users_explicit, explicit)  # [Q, N_USERS]
    # 2) topk(largest=False) -> k smallest distances == top_k of negated distances
    neg_d, nearest_user_ids = jax.lax.top_k(-distances, K_NEIGHBOURS)
    neighbors_distances = -neg_d  # [Q, K]
    # 3) neighbours' ratings over all items (base model rates by stored explicit rows)
    neighbours_ratings = jnp.take(explicit, nearest_user_ids, axis=0)  # [Q, K, N_ITEMS]
    # 4) weighted average with weights = (distance + eps) ** -1
    weights = (neighbors_distances + EPS) ** (-1.0)  # [Q, K]
    ratings = jnp.sum(weights[..., None] * neighbours_ratings, axis=1) / jnp.sum(weights, axis=1)[..., None]
    return ratings  # [Q, N_ITEMS]

if __name__ == "__main__":
    import jax
    _d = setup_inputs()
    print(jax.jit(kernel)(*tuple(_d.values())))

</pallas_src>

<mosaic_0001>
#map = affine_map<(d0, d1) -> (0, 0)>
#map1 = affine_map<(d0, d1) -> (0)>
module attributes {stable_mosaic.version = 14 : i64} {
  func.func @gather_k(%arg0: i32, %arg1: i32, %arg2: memref<100000x256xf32, #tpu.memory_space<hbm>>, %arg3: memref<10240xi32, #tpu.memory_space<hbm>>, %arg4: memref<10240x256xf32, #tpu.memory_space<hbm>>, %arg5: memref<320xi32, #tpu.memory_space<vmem>>, %arg6: memref<320x256xf32, #tpu.memory_space<vmem>>, %arg7: memref<!tpu.dma_semaphore, #tpu.memory_space<semaphore_mem>>) attributes {dimension_semantics = [#tpu.dimension_semantics<core_parallel>, #tpu.dimension_semantics<subcore_parallel>], iteration_bounds = array<i64: 2, 16>, scalar_prefetch = 0 : i64, scratch_operands = 3 : i64, tpu.core_type = #tpu.core_type<sc_vector_subcore>, window_params = [{transform_indices = #map}, {transform_indices = #map1}, {transform_indices = #map}]} {
    %mul3A = arith.constant 2 : i32
    %mul3A_0 = arith.muli %arg1, %mul3A : i32
    %add3A = arith.addi %mul3A_0, %arg0 : i32
    %mul3A_1 = arith.constant 320 : i32
    %mul3A_2 = arith.muli %add3A, %mul3A_1 : i32
    "tpu.region"() ({
      %run_scoped3A = tpu.sem_alloc : memref<!tpu.dma_semaphore, #tpu.memory_space<semaphore_mem>>
      %dma_start3A_7 = tpu.memref_slice %arg3[%mul3A_2] : memref<10240xi32, #tpu.memory_space<hbm>> -> memref<320xi32, #tpu.memory_space<hbm>>
      %dma_start3A_8 = tpu.memref_slice %arg3[%mul3A_2] : memref<10240xi32, #tpu.memory_space<hbm>> -> memref<320xi32, #tpu.memory_space<hbm>>
      tpu.enqueue_dma source(%dma_start3A_8 : memref<320xi32, #tpu.memory_space<hbm>>) target(%arg5 : memref<320xi32, #tpu.memory_space<vmem>>) target_semaphore(%run_scoped3A : memref<!tpu.dma_semaphore, #tpu.memory_space<semaphore_mem>>)
      %dma_wait3A_9 = tpu.memref_slice %arg3[%mul3A_2] : memref<10240xi32, #tpu.memory_space<hbm>> -> memref<320xi32, #tpu.memory_space<hbm>>
      %dma_wait3A_10 = tpu.memref_slice %arg3[%mul3A_2] : memref<10240xi32, #tpu.memory_space<hbm>> -> memref<320xi32, #tpu.memory_space<hbm>>
      tpu.wait_dma2 semaphore(%run_scoped3A : memref<!tpu.dma_semaphore, #tpu.memory_space<semaphore_mem>>) src(%dma_wait3A_10 : memref<320xi32, #tpu.memory_space<hbm>>) dst(%arg5 : memref<320xi32, #tpu.memory_space<vmem>>)
      tpu.yield
    }) : () -> ()
    %dma_start3A = arith.constant 0 : i32
    %dma_start3A_3 = arith.constant 0 : i32
    %dma_start3A_4 = tpu.memref_slice %arg2[%dma_start3A, %dma_start3A_3] : memref<100000x256xf32, #tpu.memory_space<hbm>> -> memref<100000x256xf32, #tpu.memory_space<hbm>>
    tpu.enqueue_indirect_dma source(%dma_start3A_4 : memref<100000x256xf32, #tpu.memory_space<hbm>>) target(%arg6 : memref<320x256xf32, #tpu.memory_space<vmem>>) offsets(%arg5 : memref<320xi32, #tpu.memory_space<vmem>>) semaphore(%arg7 : memref<!tpu.dma_semaphore, #tpu.memory_space<semaphore_mem>>)
    %dma_wait3A = arith.constant 0 : i32
    %dma_wait3A_5 = arith.constant 0 : i32
    %dma_wait3A_6 = tpu.memref_slice %arg2[%dma_wait3A, %dma_wait3A_5] : memref<100000x256xf32, #tpu.memory_space<hbm>> -> memref<100000x256xf32, #tpu.memory_space<hbm>>
    tpu.wait_indirect_dma semaphore(%arg7 : memref<!tpu.dma_semaphore, #tpu.memory_space<semaphore_mem>>) src(%dma_wait3A_6 : memref<100000x256xf32, #tpu.memory_space<hbm>>) dst(%arg6 : memref<320x256xf32, #tpu.memory_space<vmem>>)
    "tpu.region"() ({
      %run_scoped3A = tpu.sem_alloc : memref<!tpu.dma_semaphore, #tpu.memory_space<semaphore_mem>>
      %dma_start3A_7 = arith.constant 0 : i32
      %dma_start3A_8 = tpu.memref_slice %arg4[%mul3A_2, %dma_start3A_7] : memref<10240x256xf32, #tpu.memory_space<hbm>> -> memref<320x256xf32, #tpu.memory_space<hbm>>
      %dma_start3A_9 = arith.constant 0 : i32
      %dma_start3A_10 = tpu.memref_slice %arg4[%mul3A_2, %dma_start3A_9] : memref<10240x256xf32, #tpu.memory_space<hbm>> -> memref<320x256xf32, #tpu.memory_space<hbm>>
      tpu.enqueue_dma source(%arg6 : memref<320x256xf32, #tpu.memory_space<vmem>>) target(%dma_start3A_10 : memref<320x256xf32, #tpu.memory_space<hbm>>) target_semaphore(%run_scoped3A : memref<!tpu.dma_semaphore, #tpu.memory_space<semaphore_mem>>)
      %dma_wait3A_11 = arith.constant 0 : i32
      %dma_wait3A_12 = tpu.memref_slice %arg4[%mul3A_2, %dma_wait3A_11] : memref<10240x256xf32, #tpu.memory_space<hbm>> -> memref<320x256xf32, #tpu.memory_space<hbm>>
      %dma_wait3A_13 = arith.constant 0 : i32
      %dma_wait3A_14 = tpu.memref_slice %arg4[%mul3A_2, %dma_wait3A_13] : memref<10240x256xf32, #tpu.memory_space<hbm>> -> memref<320x256xf32, #tpu.memory_space<hbm>>
      tpu.wait_dma2 semaphore(%run_scoped3A : memref<!tpu.dma_semaphore, #tpu.memory_space<semaphore_mem>>) src(%arg6 : memref<320x256xf32, #tpu.memory_space<vmem>>) dst(%dma_wait3A_14 : memref<320x256xf32, #tpu.memory_space<hbm>>)
      tpu.yield
    }) : () -> ()
    return
  }
}

module attributes {stable_mosaic.version = 14 : i64} {
  func.func @_topk_body(%arg0: i32, %arg1: memref<1024x256xf32, #tpu.memory_space<vmem>>, %arg2: memref<512x256xf32, #tpu.memory_space<vmem>>, %arg3: memref<10x1024xf32, #tpu.memory_space<vmem>>, %arg4: memref<10x1024xi32, #tpu.memory_space<vmem>>, %arg5: memref<256x1024xf32, #tpu.memory_space<vmem>>, %arg6: memref<512x1024xf32, #tpu.memory_space<vmem>>, %arg7: memref<10x1024xf32, #tpu.memory_space<vmem>>, %arg8: memref<10x1024xi32, #tpu.memory_space<vmem>>) attributes {dimension_semantics = [#tpu.dimension_semantics<arbitrary>], iteration_bounds = array<i64: 196>, scalar_prefetch = 0 : i64, scratch_operands = 4 : i64, tpu.core_type = #tpu.core_type<tc>, window_params = [{pipeline_mode = #tpu.pipeline_mode<synchronous>, transform_indices = @transform_0, window_bounds = array<i64: 1024, 256>}, {transform_indices = @transform_1, window_bounds = array<i64: 512, 256>}, {pipeline_mode = #tpu.pipeline_mode<synchronous>, transform_indices = @transform_2, window_bounds = array<i64: 10, 1024>}, {pipeline_mode = #tpu.pipeline_mode<synchronous>, transform_indices = @transform_3, window_bounds = array<i64: 10, 1024>}]} {
    %eq3A = arith.constant 0 : i32
    %eq3A_0 = arith.cmpi eq, %arg0, %eq3A : i32
    %convert_element_type3A = arith.extui %eq3A_0 : i1 to i32
    %cond3A = arith.constant 0 : i32
    %cond3A_1 = arith.cmpi ne, %convert_element_type3A, %cond3A : i32
    scf.if %cond3A_1 {
      %get3A_231 = arith.constant 0 : index
      %get3A_232 = arith.constant 0 : index
      %get3A_233 = vector.load %arg1[%get3A_231, %get3A_232] : memref<1024x256xf32, #tpu.memory_space<vmem>>, vector<1024x256xf32>
      %mul3A_234 = arith.mulf %get3A_233, %get3A_233 : vector<1024x256xf32>
      %reduce_sum3A_235 = arith.constant dense<0.000000e+00> : vector<1024xf32>
      %reduce_sum3A_236 = vector.multi_reduction <add>, %mul3A_234, %reduce_sum3A_235 [1] : vector<1024x256xf32> to vector<1024xf32>
      %broadcast_in_dim3A_237 = vector.shape_cast %reduce_sum3A_236 : vector<1024xf32> to vector<1024x1xf32>
      %sqrt3A_238 = math.sqrt %broadcast_in_dim3A_237 : vector<1024x1xf32>
      %max3A_239 = arith.constant 9.99999996E-13 : f32
      %max3A_240 = vector.broadcast %max3A_239 : f32 to vector<1024x1xf32>
      %max3A_241 = arith.maximumf %sqrt3A_238, %max3A_240 : vector<1024x1xf32>
      %div3A_242 = vector.broadcast %max3A_241 : vector<1024x1xf32> to vector<1024x256xf32>
      %div3A_243 = arith.divf %get3A_233, %div3A_242 : vector<1024x256xf32>
      %transpose3A = tpu.transpose %div3A_243, [1, 0] : vector<1024x256xf32> -> vector<256x1024xf32>
      %swap3A_244 = arith.constant 0 : index
      %swap3A_245 = arith.constant 0 : index
      %swap3A_246 = vector.load %arg5[%swap3A_244, %swap3A_245] : memref<256x1024xf32, #tpu.memory_space<vmem>>, vector<256x1024xf32>
      tpu.vector_store %arg5[%swap3A_244, %swap3A_245], %transpose3A {strides = array<i32>} : memref<256x1024xf32, #tpu.memory_space<vmem>>, vector<256x1024xf32>,
      %broadcast_in_dim3A_247 = arith.constant 0xFF800000 : f32
      %broadcast_in_dim3A_248 = vector.broadcast %broadcast_in_dim3A_247 : f32 to vector<10x1024xf32>
      %swap3A_249 = arith.constant 0 : index
      %swap3A_250 = arith.constant 0 : index
      %swap3A_251 = vector.load %arg7[%swap3A_249, %swap3A_250] : memref<10x1024xf32, #tpu.memory_space<vmem>>, vector<10x1024xf32>
      tpu.vector_store %arg7[%swap3A_249, %swap3A_250], %broadcast_in_dim3A_248 {strides = array<i32>} : memref<10x1024xf32, #tpu.memory_space<vmem>>, vector<10x1024xf32>,
      %broadcast_in_dim3A_252 = arith.constant 0 : i32
      %broadcast_in_dim3A_253 = vector.broadcast %broadcast_in_dim3A_252 : i32 to vector<10x1024xi32>
      %swap3A_254 = arith.constant 0 : index
      %swap3A_255 = arith.constant 0 : index
      %swap3A_256 = vector.load %arg8[%swap3A_254, %swap3A_255] : memref<10x1024xi32, #tpu.memory_space<vmem>>, vector<10x1024xi32>
      tpu.vector_store %arg8[%swap3A_254, %swap3A_255], %broadcast_in_dim3A_253 {strides = array<i32>} : memref<10x1024xi32, #tpu.memory_space<vmem>>, vector<10x1024xi32>,
    } else {
    }
    %mul3A = arith.constant 512 : i32
    %mul3A_2 = arith.muli %arg0, %mul3A : i32
    %iota3A = tpu.iota {dimensions = array<i32: 0>} : vector<512x1xi32>
    %add3A = vector.broadcast %mul3A_2 : i32 to vector<512x1xi32>
    %add3A_3 = arith.addi %add3A, %iota3A : vector<512x1xi32>
    %get3A = arith.constant 0 : index
    %get3A_4 = arith.constant 0 : index
    %get3A_5 = vector.load %arg2[%get3A, %get3A_4] : memref<512x256xf32, #tpu.memory_space<vmem>>, vector<512x256xf32>
    %mul3A_6 = arith.mulf %get3A_5, %get3A_5 : vector<512x256xf32>
    %reduce_sum3A = arith.constant dense<0.000000e+00> : vector<512xf32>
    %reduce_sum3A_7 = vector.multi_reduction <add>, %mul3A_6, %reduce_sum3A [1] : vector<512x256xf32> to vector<512xf32>
    %broadcast_in_dim3A = vector.shape_cast %reduce_sum3A_7 : vector<512xf32> to vector<512x1xf32>
    %sqrt3A = math.sqrt %broadcast_in_dim3A : vector<512x1xf32>
    %max3A = arith.constant 9.99999996E-13 : f32
    %max3A_8 = vector.broadcast %max3A : f32 to vector<512x1xf32>
    %max3A_9 = arith.maximumf %sqrt3A, %max3A_8 : vector<512x1xf32>
    %div3A = vector.broadcast %max3A_9 : vector<512x1xf32> to vector<512x256xf32>
    %div3A_10 = arith.divf %get3A_5, %div3A : vector<512x256xf32>
    %lt3A = arith.constant 100000 : i32
    %lt3A_11 = vector.broadcast %lt3A : i32 to vector<512x1xi32>
    %lt3A_12 = arith.cmpi slt, %add3A_3, %lt3A_11 : vector<512x1xi32>
    %jit3A = arith.constant 0.000000e+00 : f32
    %broadcast_in_dim3A_13 = vector.shape_cast %lt3A_12 : vector<512x1xi1> to vector<512x1xi1>
    %broadcast_in_dim3A_14 = vector.broadcast %broadcast_in_dim3A_13 : vector<512x1xi1> to vector<512x256xi1>
    %broadcast_in_dim3A_15 = vector.broadcast %jit3A : f32 to vector<512x256xf32>
    %select_n3A = arith.select %broadcast_in_dim3A_14, %div3A_10, %broadcast_in_dim3A_15 : vector<512x256xi1>, vector<512x256xf32>
    %get3A_16 = arith.constant 0 : index
    %get3A_17 = arith.constant 0 : index
    %get3A_18 = vector.load %arg5[%get3A_16, %get3A_17] : memref<256x1024xf32, #tpu.memory_space<vmem>>, vector<256x1024xf32>
    %dot_general3A = arith.constant dense<0.000000e+00> : vector<512x1024xf32>
    %dot_general3A_19 = tpu.matmul %select_n3A, %get3A_18, %dot_general3A {dimension_numbers = #tpu.dot_dimension_numbers<[1], [0], [0], [1], [0, 0, 1, 1], [], []>, transpose_lhs_hint = false} : vector<512x256xf32>, vector<256x1024xf32>, vector<512x1024xf32> -> vector<512x1024xf32>
    %get3A_20 = arith.constant 9 : index
    %get3A_21 = arith.constant 0 : index
    %get3A_22 = vector.load %arg7[%get3A_20, %get3A_21] : memref<10x1024xf32, #tpu.memory_space<vmem>>, vector<1x1024xf32>
    %gt3A = vector.broadcast %get3A_22 : vector<1x1024xf32> to vector<512x1024xf32>
    %gt3A_23 = arith.cmpf ogt, %dot_general3A_19, %gt3A : vector<512x1024xf32>
    %convert_element_type3A_24 = arith.extui %gt3A_23 : vector<512x1024xi1> to vector<512x1024xi32>
    %reduce_sum3A_25 = arith.constant dense<0> : vector<1024xi32>
    %reduce_sum3A_26 = vector.multi_reduction <add>, %convert_element_type3A_24, %reduce_sum3A_25 [0] : vector<512x1024xi32> to vector<1024xi32>
    %reduce_max3A = vector.shape_cast %reduce_sum3A_26 : vector<1024xi32> to vector<1x1024xi32>
    %reduce_max3A_27 = arith.constant dense<-2147483648> : vector<1xi32>
    %reduce_max3A_28 = vector.multi_reduction <maxsi>, %reduce_max3A, %reduce_max3A_27 [1] : vector<1x1024xi32> to vector<1xi32>
    %reduce_max3A_29 = vector.shape_cast %reduce_max3A_28 : vector<1xi32> to vector<1x1xi32>
    %reduce_max3A_30 = vector.extract %reduce_max3A_29[0, 0] : i32 from vector<1x1xi32>
    %min3A = arith.constant 10 : i32
    %min3A_31 = arith.minsi %reduce_max3A_30, %min3A : i32
    %swap3A = arith.constant 0 : index
    %swap3A_32 = arith.constant 0 : index
    %swap3A_33 = vector.load %arg6[%swap3A, %swap3A_32] : memref<512x1024xf32, #tpu.memory_space<vmem>>, vector<512x1024xf32>
    tpu.vector_store %arg6[%swap3A, %swap3A_32], %dot_general3A_19 {strides = array<i32>} : memref<512x1024xf32, #tpu.memory_space<vmem>>, vector<512x1024xf32>,
    %iota3A_34 = tpu.iota {dimensions = array<i32: 0>} : vector<10x1xi32>
    %broadcast_in_dim3A_35 = arith.constant 0xFF800000 : f32
    %broadcast_in_dim3A_36 = vector.broadcast %broadcast_in_dim3A_35 : f32 to vector<10x1024xf32>
    %broadcast_in_dim3A_37 = arith.constant 2147483647 : i32
    %broadcast_in_dim3A_38 = vector.broadcast %broadcast_in_dim3A_37 : i32 to vector<10x1024xi32>
    %while3A = arith.constant 2147483647 : i32
    %while3A_39 = arith.constant 0 : i32
    %while3A_40 = arith.subi %min3A_31, %while3A_39 : i32
    %while3A_41 = arith.addi %while3A_39, %while3A_40 : i32
    %while3A_42 = arith.constant 1 : i32
    %while3A_43 = arith.divsi %while3A_40, %while3A_42 : i32
    %while3A_44 = arith.muli %while3A_43, %while3A_42 : i32
    %while3A_45 = arith.addi %while3A_39, %while3A_44 : i32
    %while3A_46 = arith.constant 1 : i32
    %while3A_47:2 = scf.for %while3A_231 = %while3A_39 to %while3A_45 step %while3A_46 iter_args(%while3A_232 = %broadcast_in_dim3A_36, %while3A_233 = %broadcast_in_dim3A_38) -> (vector<10x1024xf32>, vector<10x1024xi32>)  : i32 {
      %get3A_234 = arith.constant 0 : index
      %get3A_235 = arith.constant 0 : index
      %get3A_236 = vector.load %arg6[%get3A_234, %get3A_235] : memref<512x1024xf32, #tpu.memory_space<vmem>>, vector<512x1024xf32>
      %reduce_max3A_237 = arith.constant dense<0xFF800000> : vector<1024xf32>
      %reduce_max3A_238 = vector.multi_reduction <maximumf>, %get3A_236, %reduce_max3A_237 [0] : vector<512x1024xf32> to vector<1024xf32>
      %broadcast_in_dim3A_239 = vector.shape_cast %reduce_max3A_238 : vector<1024xf32> to vector<1x1024xf32>
      %ge3A_240 = vector.broadcast %broadcast_in_dim3A_239 : vector<1x1024xf32> to vector<512x1024xf32>
      %ge3A_241 = arith.cmpf oge, %get3A_236, %ge3A_240 : vector<512x1024xf32>
      %broadcast_in_dim3A_242 = vector.shape_cast %add3A_3 : vector<512x1xi32> to vector<512x1xi32>
      %broadcast_in_dim3A_243 = vector.broadcast %broadcast_in_dim3A_242 : vector<512x1xi32> to vector<512x1024xi32>
      %broadcast_in_dim3A_244 = vector.broadcast %while3A : i32 to vector<512x1024xi32>
      %select_n3A_245 = arith.select %ge3A_241, %broadcast_in_dim3A_243, %broadcast_in_dim3A_244 : vector<512x1024xi1>, vector<512x1024xi32>
      %reduce_min3A_246 = arith.constant dense<2147483647> : vector<1024xi32>
      %reduce_min3A_247 = vector.multi_reduction <minsi>, %select_n3A_245, %reduce_min3A_246 [0] : vector<512x1024xi32> to vector<1024xi32>
      %broadcast_in_dim3A_248 = vector.shape_cast %reduce_min3A_247 : vector<1024xi32> to vector<1x1024xi32>
      %eq3A_249 = vector.broadcast %broadcast_in_dim3A_248 : vector<1x1024xi32> to vector<512x1024xi32>
      %eq3A_250 = arith.cmpi eq, %select_n3A_245, %eq3A_249 : vector<512x1024xi32>
      %jit3A_251 = arith.constant 0xFF800000 : f32
      %broadcast_in_dim3A_252 = vector.broadcast %jit3A_251 : f32 to vector<512x1024xf32>
      %select_n3A_253 = arith.select %eq3A_250, %broadcast_in_dim3A_252, %get3A_236 : vector<512x1024xi1>, vector<512x1024xf32>
      %swap3A_254 = arith.constant 0 : index
      %swap3A_255 = arith.constant 0 : index
      %swap3A_256 = vector.load %arg6[%swap3A_254, %swap3A_255] : memref<512x1024xf32, #tpu.memory_space<vmem>>, vector<512x1024xf32>
      tpu.vector_store %arg6[%swap3A_254, %swap3A_255], %select_n3A_253 {strides = array<i32>} : memref<512x1024xf32, #tpu.memory_space<vmem>>, vector<512x1024xf32>,
      %eq3A_257 = vector.broadcast %while3A_231 : i32 to vector<10x1xi32>
      %eq3A_258 = arith.cmpi eq, %iota3A_34, %eq3A_257 : vector<10x1xi32>
      %broadcast_in_dim3A_259 = vector.shape_cast %eq3A_258 : vector<10x1xi1> to vector<10x1xi1>
      %broadcast_in_dim3A_260 = vector.broadcast %broadcast_in_dim3A_259 : vector<10x1xi1> to vector<10x1024xi1>
      %broadcast_in_dim3A_261 = vector.shape_cast %broadcast_in_dim3A_239 : vector<1x1024xf32> to vector<1x1024xf32>
      %broadcast_in_dim3A_262 = vector.broadcast %broadcast_in_dim3A_261 : vector<1x1024xf32> to vector<10x1024xf32>
      %select_n3A_263 = arith.select %broadcast_in_dim3A_260, %broadcast_in_dim3A_262, %while3A_232 : vector<10x1024xi1>, vector<10x1024xf32>
      %eq3A_264 = vector.broadcast %while3A_231 : i32 to vector<10x1xi32>
      %eq3A_265 = arith.cmpi eq, %iota3A_34, %eq3A_264 : vector<10x1xi32>
      %broadcast_in_dim3A_266 = vector.shape_cast %eq3A_265 : vector<10x1xi1> to vector<10x1xi1>
      %broadcast_in_dim3A_267 = vector.broadcast %broadcast_in_dim3A_266 : vector<10x1xi1> to vector<10x1024xi1>
      %broadcast_in_dim3A_268 = vector.shape_cast %broadcast_in_dim3A_248 : vector<1x1024xi32> to vector<1x1024xi32>
      %broadcast_in_dim3A_269 = vector.broadcast %broadcast_in_dim3A_268 : vector<1x1024xi32> to vector<10x1024xi32>
      %select_n3A_270 = arith.select %broadcast_in_dim3A_267, %broadcast_in_dim3A_269, %while3A_233 : vector<10x1024xi1>, vector<10x1024xi32>
      scf.yield %select_n3A_263, %select_n3A_270 : vector<10x1024xf32>, vector<10x1024xi32>
    }
    %while3A_48 = arith.constant 1 : i32
    %while3A_49:2 = scf.for %while3A_231 = %while3A_45 to %while3A_41 step %while3A_48 iter_args(%while3A_232 = %while3A_47#0, %while3A_233 = %while3A_47#1) -> (vector<10x1024xf32>, vector<10x1024xi32>)  : i32 {
      %get3A_234 = arith.constant 0 : index
      %get3A_235 = arith.constant 0 : index
      %get3A_236 = vector.load %arg6[%get3A_234, %get3A_235] : memref<512x1024xf32, #tpu.memory_space<vmem>>, vector<512x1024xf32>
      %reduce_max3A_237 = arith.constant dense<0xFF800000> : vector<1024xf32>
      %reduce_max3A_238 = vector.multi_reduction <maximumf>, %get3A_236, %reduce_max3A_237 [0] : vector<512x1024xf32> to vector<1024xf32>
      %broadcast_in_dim3A_239 = vector.shape_cast %reduce_max3A_238 : vector<1024xf32> to vector<1x1024xf32>
      %ge3A_240 = vector.broadcast %broadcast_in_dim3A_239 : vector<1x1024xf32> to vector<512x1024xf32>
      %ge3A_241 = arith.cmpf oge, %get3A_236, %ge3A_240 : vector<512x1024xf32>
      %broadcast_in_dim3A_242 = vector.shape_cast %add3A_3 : vector<512x1xi32> to vector<512x1xi32>
      %broadcast_in_dim3A_243 = vector.broadcast %broadcast_in_dim3A_242 : vector<512x1xi32> to vector<512x1024xi32>
      %broadcast_in_dim3A_244 = vector.broadcast %while3A : i32 to vector<512x1024xi32>
      %select_n3A_245 = arith.select %ge3A_241, %broadcast_in_dim3A_243, %broadcast_in_dim3A_244 : vector<512x1024xi1>, vector<512x1024xi32>
      %reduce_min3A_246 = arith.constant dense<2147483647> : vector<1024xi32>
      %reduce_min3A_247 = vector.multi_reduction <minsi>, %select_n3A_245, %reduce_min3A_246 [0] : vector<512x1024xi32> to vector<1024xi32>
      %broadcast_in_dim3A_248 = vector.shape_cast %reduce_min3A_247 : vector<1024xi32> to vector<1x1024xi32>
      %eq3A_249 = vector.broadcast %broadcast_in_dim3A_248 : vector<1x1024xi32> to vector<512x1024xi32>
      %eq3A_250 = arith.cmpi eq, %select_n3A_245, %eq3A_249 : vector<512x1024xi32>
      %jit3A_251 = arith.constant 0xFF800000 : f32
      %broadcast_in_dim3A_252 = vector.broadcast %jit3A_251 : f32 to vector<512x1024xf32>
      %select_n3A_253 = arith.select %eq3A_250, %broadcast_in_dim3A_252, %get3A_236 : vector<512x1024xi1>, vector<512x1024xf32>
      %swap3A_254 = arith.constant 0 : index
      %swap3A_255 = arith.constant 0 : index
      %swap3A_256 = vector.load %arg6[%swap3A_254, %swap3A_255] : memref<512x1024xf32, #tpu.memory_space<vmem>>, vector<512x1024xf32>
      tpu.vector_store %arg6[%swap3A_254, %swap3A_255], %select_n3A_253 {strides = array<i32>} : memref<512x1024xf32, #tpu.memory_space<vmem>>, vector<512x1024xf32>,
      %eq3A_257 = vector.broadcast %while3A_231 : i32 to vector<10x1xi32>
      %eq3A_258 = arith.cmpi eq, %iota3A_34, %eq3A_257 : vector<10x1xi32>
      %broadcast_in_dim3A_259 = vector.shape_cast %eq3A_258 : vector<10x1xi1> to vector<10x1xi1>
      %broadcast_in_dim3A_260 = vector.broadcast %broadcast_in_dim3A_259 : vector<10x1xi1> to vector<10x1024xi1>
      %broadcast_in_dim3A_261 = vector.shape_cast %broadcast_in_dim3A_239 : vector<1x1024xf32> to vector<1x1024xf32>
      %broadcast_in_dim3A_262 = vector.broadcast %broadcast_in_dim3A_261 : vector<1x1024xf32> to vector<10x1024xf32>
      %select_n3A_263 = arith.select %broadcast_in_dim3A_260, %broadcast_in_dim3A_262, %while3A_232 : vector<10x1024xi1>, vector<10x1024xf32>
      %eq3A_264 = vector.broadcast %while3A_231 : i32 to vector<10x1xi32>
      %eq3A_265 = arith.cmpi eq, %iota3A_34, %eq3A_264 : vector<10x1xi32>
      %broadcast_in_dim3A_266 = vector.shape_cast %eq3A_265 : vector<10x1xi1> to vector<10x1xi1>
      %broadcast_in_dim3A_267 = vector.broadcast %broadcast_in_dim3A_266 : vector<10x1xi1> to vector<10x1024xi1>
      %broadcast_in_dim3A_268 = vector.shape_cast %broadcast_in_dim3A_248 : vector<1x1024xi32> to vector<1x1024xi32>
      %broadcast_in_dim3A_269 = vector.broadcast %broadcast_in_dim3A_268 : vector<1x1024xi32> to vector<10x1024xi32>
      %select_n3A_270 = arith.select %broadcast_in_dim3A_267, %broadcast_in_dim3A_269, %while3A_233 : vector<10x1024xi1>, vector<10x1024xi32>
      scf.yield %select_n3A_263, %select_n3A_270 : vector<10x1024xf32>, vector<10x1024xi32>
    }
    %get3A_50 = arith.constant 0 : index
    %get3A_51 = arith.constant 0 : index
    %get3A_52 = vector.load %arg7[%get3A_50, %get3A_51] : memref<10x1024xf32, #tpu.memory_space<vmem>>, vector<10x1024xf32>
    %concatenate3A = tpu.concatenate %get3A_52, %while3A_49#0 in 0 : vector<10x1024xf32>, vector<10x1024xf32> -> vector<20x1024xf32>
    %get3A_53 = arith.constant 0 : index
    %get3A_54 = arith.constant 0 : index
    %get3A_55 = vector.load %arg8[%get3A_53, %get3A_54] : memref<10x1024xi32, #tpu.memory_space<vmem>>, vector<10x1024xi32>
    %concatenate3A_56 = tpu.concatenate %get3A_55, %while3A_49#1 in 0 : vector<10x1024xi32>, vector<10x1024xi32> -> vector<20x1024xi32>
    %reduce_max3A_57 = arith.constant dense<0xFF800000> : vector<1024xf32>
    %reduce_max3A_58 = vector.multi_reduction <maximumf>, %concatenate3A, %reduce_max3A_57 [0] : vector<20x1024xf32> to vector<1024xf32>
    %broadcast_in_dim3A_59 = vector.shape_cast %reduce_max3A_58 : vector<1024xf32> to vector<1x1024xf32>
    %ge3A = vector.broadcast %broadcast_in_dim3A_59 : vector<1x1024xf32> to vector<20x1024xf32>
    %ge3A_60 = arith.cmpf oge, %concatenate3A, %ge3A : vector<20x1024xf32>
    %jit3A_61 = arith.constant 2147483647 : i32
    %broadcast_in_dim3A_62 = vector.broadcast %jit3A_61 : i32 to vector<20x1024xi32>
    %select_n3A_63 = arith.select %ge3A_60, %concatenate3A_56, %broadcast_in_dim3A_62 : vector<20x1024xi1>, vector<20x1024xi32>
    %reduce_min3A = arith.constant dense<2147483647> : vector<1024xi32>
    %reduce_min3A_64 = vector.multi_reduction <minsi>, %select_n3A_63, %reduce_min3A [0] : vector<20x1024xi32> to vector<1024xi32>
    %broadcast_in_dim3A_65 = vector.shape_cast %reduce_min3A_64 : vector<1024xi32> to vector<1x1024xi32>
    %eq3A_66 = vector.broadcast %broadcast_in_dim3A_65 : vector<1x1024xi32> to vector<20x1024xi32>
    %eq3A_67 = arith.cmpi eq, %concatenate3A_56, %eq3A_66 : vector<20x1024xi32>
    %and3A = arith.andi %ge3A_60, %eq3A_67 : vector<20x1024xi1>
    %jit3A_68 = arith.constant 0xFF800000 : f32
    %broadcast_in_dim3A_69 = vector.broadcast %jit3A_68 : f32 to vector<20x1024xf32>
    %select_n3A_70 = arith.select %and3A, %broadcast_in_dim3A_69, %concatenate3A : vector<20x1024xi1>, vector<20x1024xf32>
    %reduce_max3A_71 = arith.constant dense<0xFF800000> : vector<1024xf32>
    %reduce_max3A_72 = vector.multi_reduction <maximumf>, %select_n3A_70, %reduce_max3A_71 [0] : vector<20x1024xf32> to vector<1024xf32>
    %broadcast_in_dim3A_73 = vector.shape_cast %reduce_max3A_72 : vector<1024xf32> to vector<1x1024xf32>
    %ge3A_74 = vector.broadcast %broadcast_in_dim3A_73 : vector<1x1024xf32> to vector<20x1024xf32>
    %ge3A_75 = arith.cmpf oge, %select_n3A_70, %ge3A_74 : vector<20x1024xf32>
    %jit3A_76 = arith.constant 2147483647 : i32
    %broadcast_in_dim3A_77 = vector.broadcast %jit3A_76 : i32 to vector<20x1024xi32>
    %select_n3A_78 = arith.select %ge3A_75, %concatenate3A_56, %broadcast_in_dim3A_77 : vector<20x1024xi1>, vector<20x1024xi32>
    %reduce_min3A_79 = arith.constant dense<2147483647> : vector<1024xi32>
    %reduce_min3A_80 = vector.multi_reduction <minsi>, %select_n3A_78, %reduce_min3A_79 [0] : vector<20x1024xi32> to vector<1024xi32>
    %broadcast_in_dim3A_81 = vector.shape_cast %reduce_min3A_80 : vector<1024xi32> to vector<1x1024xi32>
    %eq3A_82 = vector.broadcast %broadcast_in_dim3A_81 : vector<1x1024xi32> to vector<20x1024xi32>
    %eq3A_83 = arith.cmpi eq, %concatenate3A_56, %eq3A_82 : vector<20x1024xi32>
    %and3A_84 = arith.andi %ge3A_75, %eq3A_83 : vector<20x1024xi1>
    %jit3A_85 = arith.constant 0xFF800000 : f32
    %broadcast_in_dim3A_86 = vector.broadcast %jit3A_85 : f32 to vector<20x1024xf32>
    %select_n3A_87 = arith.select %and3A_84, %broadcast_in_dim3A_86, %select_n3A_70 : vector<20x1024xi1>, vector<20x1024xf32>
    %reduce_max3A_88 = arith.constant dense<0xFF800000> : vector<1024xf32>
    %reduce_max3A_89 = vector.multi_reduction <maximumf>, %select_n3A_87, %reduce_max3A_88 [0] : vector<20x1024xf32> to vector<1024xf32>
    %broadcast_in_dim3A_90 = vector.shape_cast %reduce_max3A_89 : vector<1024xf32> to vector<1x1024xf32>
    %ge3A_91 = vector.broadcast %broadcast_in_dim3A_90 : vector<1x1024xf32> to vector<20x1024xf32>
    %ge3A_92 = arith.cmpf oge, %select_n3A_87, %ge3A_91 : vector<20x1024xf32>
    %jit3A_93 = arith.constant 2147483647 : i32
    %broadcast_in_dim3A_94 = vector.broadcast %jit3A_93 : i32 to vector<20x1024xi32>
    %select_n3A_95 = arith.select %ge3A_92, %concatenate3A_56, %broadcast_in_dim3A_94 : vector<20x1024xi1>, vector<20x1024xi32>
    %reduce_min3A_96 = arith.constant dense<2147483647> : vector<1024xi32>
    %reduce_min3A_97 = vector.multi_reduction <minsi>, %select_n3A_95, %reduce_min3A_96 [0] : vector<20x1024xi32> to vector<1024xi32>
    %broadcast_in_dim3A_98 = vector.shape_cast %reduce_min3A_97 : vector<1024xi32> to vector<1x1024xi32>
    %eq3A_99 = vector.broadcast %broadcast_in_dim3A_98 : vector<1x1024xi32> to vector<20x1024xi32>
    %eq3A_100 = arith.cmpi eq, %concatenate3A_56, %eq3A_99 : vector<20x1024xi32>
    %and3A_101 = arith.andi %ge3A_92, %eq3A_100 : vector<20x1024xi1>
    %jit3A_102 = arith.constant 0xFF800000 : f32
    %broadcast_in_dim3A_103 = vector.broadcast %jit3A_102 : f32 to vector<20x1024xf32>
    %select_n3A_104 = arith.select %and3A_101, %broadcast_in_dim3A_103, %select_n3A_87 : vector<20x1024xi1>, vector<20x1024xf32>
    %reduce_max3A_105 = arith.constant dense<0xFF800000> : vector<1024xf32>
    %reduce_max3A_106 = vector.multi_reduction <maximumf>, %select_n3A_104, %reduce_max3A_105 [0] : vector<20x1024xf32> to vector<1024xf32>
    %broadcast_in_dim3A_107 = vector.shape_cast %reduce_max3A_106 : vector<1024xf32> to vector<1x1024xf32>
    %ge3A_108 = vector.broadcast %broadcast_in_dim3A_107 : vector<1x1024xf32> to vector<20x1024xf32>
    %ge3A_109 = arith.cmpf oge, %select_n3A_104, %ge3A_108 : vector<20x1024xf32>
    %jit3A_110 = arith.constant 2147483647 : i32
    %broadcast_in_dim3A_111 = vector.broadcast %jit3A_110 : i32 to vector<20x1024xi32>
    %select_n3A_112 = arith.select %ge3A_109, %concatenate3A_56, %broadcast_in_dim3A_111 : vector<20x1024xi1>, vector<20x1024xi32>
    %reduce_min3A_113 = arith.constant dense<2147483647> : vector<1024xi32>
    %reduce_min3A_114 = vector.multi_reduction <minsi>, %select_n3A_112, %reduce_min3A_113 [0] : vector<20x1024xi32> to vector<1024xi32>
    %broadcast_in_dim3A_115 = vector.shape_cast %reduce_min3A_114 : vector<1024xi32> to vector<1x1024xi32>
    %eq3A_116 = vector.broadcast %broadcast_in_dim3A_115 : vector<1x1024xi32> to vector<20x1024xi32>
    %eq3A_117 = arith.cmpi eq, %concatenate3A_56, %eq3A_116 : vector<20x1024xi32>
    %and3A_118 = arith.andi %ge3A_109, %eq3A_117 : vector<20x1024xi1>
    %jit3A_119 = arith.constant 0xFF800000 : f32
    %broadcast_in_dim3A_120 = vector.broadcast %jit3A_119 : f32 to vector<20x1024xf32>
    %select_n3A_121 = arith.select %and3A_118, %broadcast_in_dim3A_120, %select_n3A_104 : vector<20x1024xi1>, vector<20x1024xf32>
    %reduce_max3A_122 = arith.constant dense<0xFF800000> : vector<1024xf32>
    %reduce_max3A_123 = vector.multi_reduction <maximumf>, %select_n3A_121, %reduce_max3A_122 [0] : vector<20x1024xf32> to vector<1024xf32>
    %broadcast_in_dim3A_124 = vector.shape_cast %reduce_max3A_123 : vector<1024xf32> to vector<1x1024xf32>
    %ge3A_125 = vector.broadcast %broadcast_in_dim3A_124 : vector<1x1024xf32> to vector<20x1024xf32>
    %ge3A_126 = arith.cmpf oge, %select_n3A_121, %ge3A_125 : vector<20x1024xf32>
    %jit3A_127 = arith.constant 2147483647 : i32
    %broadcast_in_dim3A_128 = vector.broadcast %jit3A_127 : i32 to vector<20x1024xi32>
    %select_n3A_129 = arith.select %ge3A_126, %concatenate3A_56, %broadcast_in_dim3A_128 : vector<20x1024xi1>, vector<20x1024xi32>
    %reduce_min3A_130 = arith.constant dense<2147483647> : vector<1024xi32>
    %reduce_min3A_131 = vector.multi_reduction <minsi>, %select_n3A_129, %reduce_min3A_130 [0] : vector<20x1024xi32> to vector<1024xi32>
    %broadcast_in_dim3A_132 = vector.shape_cast %reduce_min3A_131 : vector<1024xi32> to vector<1x1024xi32>
    %eq3A_133 = vector.broadcast %broadcast_in_dim3A_132 : vector<1x1024xi32> to vector<20x1024xi32>
    %eq3A_134 = arith.cmpi eq, %concatenate3A_56, %eq3A_133 : vector<20x1024xi32>
    %and3A_135 = arith.andi %ge3A_126, %eq3A_134 : vector<20x1024xi1>
    %jit3A_136 = arith.constant 0xFF800000 : f32
    %broadcast_in_dim3A_137 = vector.broadcast %jit3A_136 : f32 to vector<20x1024xf32>
    %select_n3A_138 = arith.select %and3A_135, %broadcast_in_dim3A_137, %select_n3A_121 : vector<20x1024xi1>, vector<20x1024xf32>
    %reduce_max3A_139 = arith.constant dense<0xFF800000> : vector<1024xf32>
    %reduce_max3A_140 = vector.multi_reduction <maximumf>, %select_n3A_138, %reduce_max3A_139 [0] : vector<20x1024xf32> to vector<1024xf32>
    %broadcast_in_dim3A_141 = vector.shape_cast %reduce_max3A_140 : vector<1024xf32> to vector<1x1024xf32>
    %ge3A_142 = vector.broadcast %broadcast_in_dim3A_141 : vector<1x1024xf32> to vector<20x1024xf32>
    %ge3A_143 = arith.cmpf oge, %select_n3A_138, %ge3A_142 : vector<20x1024xf32>
    %jit3A_144 = arith.constant 2147483647 : i32
    %broadcast_in_dim3A_145 = vector.broadcast %jit3A_144 : i32 to vector<20x1024xi32>
    %select_n3A_146 = arith.select %ge3A_143, %concatenate3A_56, %broadcast_in_dim3A_145 : vector<20x1024xi1>, vector<20x1024xi32>
    %reduce_min3A_147 = arith.constant dense<2147483647> : vector<1024xi32>
    %reduce_min3A_148 = vector.multi_reduction <minsi>, %select_n3A_146, %reduce_min3A_147 [0] : vector<20x1024xi32> to vector<1024xi32>
    %broadcast_in_dim3A_149 = vector.shape_cast %reduce_min3A_148 : vector<1024xi32> to vector<1x1024xi32>
    %eq3A_150 = vector.broadcast %broadcast_in_dim3A_149 : vector<1x1024xi32> to vector<20x1024xi32>
    %eq3A_151 = arith.cmpi eq, %concatenate3A_56, %eq3A_150 : vector<20x1024xi32>
    %and3A_152 = arith.andi %ge3A_143, %eq3A_151 : vector<20x1024xi1>
    %jit3A_153 = arith.constant 0xFF800000 : f32
    %broadcast_in_dim3A_154 = vector.broadcast %jit3A_153 : f32 to vector<20x1024xf32>
    %select_n3A_155 = arith.select %and3A_152, %broadcast_in_dim3A_154, %select_n3A_138 : vector<20x1024xi1>, vector<20x1024xf32>
    %reduce_max3A_156 = arith.constant dense<0xFF800000> : vector<1024xf32>
    %reduce_max3A_157 = vector.multi_reduction <maximumf>, %select_n3A_155, %reduce_max3A_156 [0] : vector<20x1024xf32> to vector<1024xf32>
    %broadcast_in_dim3A_158 = vector.shape_cast %reduce_max3A_157 : vector<1024xf32> to vector<1x1024xf32>
    %ge3A_159 = vector.broadcast %broadcast_in_dim3A_158 : vector<1x1024xf32> to vector<20x1024xf32>
    %ge3A_160 = arith.cmpf oge, %select_n3A_155, %ge3A_159 : vector<20x1024xf32>
    %jit3A_161 = arith.constant 2147483647 : i32
    %broadcast_in_dim3A_162 = vector.broadcast %jit3A_161 : i32 to vector<20x1024xi32>
    %select_n3A_163 = arith.select %ge3A_160, %concatenate3A_56, %broadcast_in_dim3A_162 : vector<20x1024xi1>, vector<20x1024xi32>
    %reduce_min3A_164 = arith.constant dense<2147483647> : vector<1024xi32>
    %reduce_min3A_165 = vector.multi_reduction <minsi>, %select_n3A_163, %reduce_min3A_164 [0] : vector<20x1024xi32> to vector<1024xi32>
    %broadcast_in_dim3A_166 = vector.shape_cast %reduce_min3A_165 : vector<1024xi32> to vector<1x1024xi32>
    %eq3A_167 = vector.broadcast %broadcast_in_dim3A_166 : vector<1x1024xi32> to vector<20x1024xi32>
    %eq3A_168 = arith.cmpi eq, %concatenate3A_56, %eq3A_167 : vector<20x1024xi32>
    %and3A_169 = arith.andi %ge3A_160, %eq3A_168 : vector<20x1024xi1>
    %jit3A_170 = arith.constant 0xFF800000 : f32
    %broadcast_in_dim3A_171 = vector.broadcast %jit3A_170 : f32 to vector<20x1024xf32>
    %select_n3A_172 = arith.select %and3A_169, %broadcast_in_dim3A_171, %select_n3A_155 : vector<20x1024xi1>, vector<20x1024xf32>
    %reduce_max3A_173 = arith.constant dense<0xFF800000> : vector<1024xf32>
    %reduce_max3A_174 = vector.multi_reduction <maximumf>, %select_n3A_172, %reduce_max3A_173 [0] : vector<20x1024xf32> to vector<1024xf32>
    %broadcast_in_dim3A_175 = vector.shape_cast %reduce_max3A_174 : vector<1024xf32> to vector<1x1024xf32>
    %ge3A_176 = vector.broadcast %broadcast_in_dim3A_175 : vector<1x1024xf32> to vector<20x1024xf32>
    %ge3A_177 = arith.cmpf oge, %select_n3A_172, %ge3A_176 : vector<20x1024xf32>
    %jit3A_178 = arith.constant 2147483647 : i32
    %broadcast_in_dim3A_179 = vector.broadcast %jit3A_178 : i32 to vector<20x1024xi32>
    %select_n3A_180 = arith.select %ge3A_177, %concatenate3A_56, %broadcast_in_dim3A_179 : vector<20x1024xi1>, vector<20x1024xi32>
    %reduce_min3A_181 = arith.constant dense<2147483647> : vector<1024xi32>
    %reduce_min3A_182 = vector.multi_reduction <minsi>, %select_n3A_180, %reduce_min3A_181 [0] : vector<20x1024xi32> to vector<1024xi32>
    %broadcast_in_dim3A_183 = vector.shape_cast %reduce_min3A_182 : vector<1024xi32> to vector<1x1024xi32>
    %eq3A_184 = vector.broadcast %broadcast_in_dim3A_183 : vector<1x1024xi32> to vector<20x1024xi32>
    %eq3A_185 = arith.cmpi eq, %concatenate3A_56, %eq3A_184 : vector<20x1024xi32>
    %and3A_186 = arith.andi %ge3A_177, %eq3A_185 : vector<20x1024xi1>
    %jit3A_187 = arith.constant 0xFF800000 : f32
    %broadcast_in_dim3A_188 = vector.broadcast %jit3A_187 : f32 to vector<20x1024xf32>
    %select_n3A_189 = arith.select %and3A_186, %broadcast_in_dim3A_188, %select_n3A_172 : vector<20x1024xi1>, vector<20x1024xf32>
    %reduce_max3A_190 = arith.constant dense<0xFF800000> : vector<1024xf32>
    %reduce_max3A_191 = vector.multi_reduction <maximumf>, %select_n3A_189, %reduce_max3A_190 [0] : vector<20x1024xf32> to vector<1024xf32>
    %broadcast_in_dim3A_192 = vector.shape_cast %reduce_max3A_191 : vector<1024xf32> to vector<1x1024xf32>
    %ge3A_193 = vector.broadcast %broadcast_in_dim3A_192 : vector<1x1024xf32> to vector<20x1024xf32>
    %ge3A_194 = arith.cmpf oge, %select_n3A_189, %ge3A_193 : vector<20x1024xf32>
    %jit3A_195 = arith.constant 2147483647 : i32
    %broadcast_in_dim3A_196 = vector.broadcast %jit3A_195 : i32 to vector<20x1024xi32>
    %select_n3A_197 = arith.select %ge3A_194, %concatenate3A_56, %broadcast_in_dim3A_196 : vector<20x1024xi1>, vector<20x1024xi32>
    %reduce_min3A_198 = arith.constant dense<2147483647> : vector<1024xi32>
    %reduce_min3A_199 = vector.multi_reduction <minsi>, %select_n3A_197, %reduce_min3A_198 [0] : vector<20x1024xi32> to vector<1024xi32>
    %broadcast_in_dim3A_200 = vector.shape_cast %reduce_min3A_199 : vector<1024xi32> to vector<1x1024xi32>
    %eq3A_201 = vector.broadcast %broadcast_in_dim3A_200 : vector<1x1024xi32> to vector<20x1024xi32>
    %eq3A_202 = arith.cmpi eq, %concatenate3A_56, %eq3A_201 : vector<20x1024xi32>
    %and3A_203 = arith.andi %ge3A_194, %eq3A_202 : vector<20x1024xi1>
    %jit3A_204 = arith.constant 0xFF800000 : f32
    %broadcast_in_dim3A_205 = vector.broadcast %jit3A_204 : f32 to vector<20x1024xf32>
    %select_n3A_206 = arith.select %and3A_203, %broadcast_in_dim3A_205, %select_n3A_189 : vector<20x1024xi1>, vector<20x1024xf32>
    %reduce_max3A_207 = arith.constant dense<0xFF800000> : vector<1024xf32>
    %reduce_max3A_208 = vector.multi_reduction <maximumf>, %select_n3A_206, %reduce_max3A_207 [0] : vector<20x1024xf32> to vector<1024xf32>
    %broadcast_in_dim3A_209 = vector.shape_cast %reduce_max3A_208 : vector<1024xf32> to vector<1x1024xf32>
    %ge3A_210 = vector.broadcast %broadcast_in_dim3A_209 : vector<1x1024xf32> to vector<20x1024xf32>
    %ge3A_211 = arith.cmpf oge, %select_n3A_206, %ge3A_210 : vector<20x1024xf32>
    %jit3A_212 = arith.constant 2147483647 : i32
    %broadcast_in_dim3A_213 = vector.broadcast %jit3A_212 : i32 to vector<20x1024xi32>
    %select_n3A_214 = arith.select %ge3A_211, %concatenate3A_56, %broadcast_in_dim3A_213 : vector<20x1024xi1>, vector<20x1024xi32>
    %reduce_min3A_215 = arith.constant dense<2147483647> : vector<1024xi32>
    %reduce_min3A_216 = vector.multi_reduction <minsi>, %select_n3A_214, %reduce_min3A_215 [0] : vector<20x1024xi32> to vector<1024xi32>
    %broadcast_in_dim3A_217 = vector.shape_cast %reduce_min3A_216 : vector<1024xi32> to vector<1x1024xi32>
    %concatenate3A_218 = tpu.concatenate %broadcast_in_dim3A_59, %broadcast_in_dim3A_73, %broadcast_in_dim3A_90, %broadcast_in_dim3A_107, %broadcast_in_dim3A_124, %broadcast_in_dim3A_141, %broadcast_in_dim3A_158, %broadcast_in_dim3A_175, %broadcast_in_dim3A_192, %broadcast_in_dim3A_209 in 0 : vector<1x1024xf32>, vector<1x1024xf32>, vector<1x1024xf32>, vector<1x1024xf32>, vector<1x1024xf32>, vector<1x1024xf32>, vector<1x1024xf32>, vector<1x1024xf32>, vector<1x1024xf32>, vector<1x1024xf32> -> vector<10x1024xf32>
    %swap3A_219 = arith.constant 0 : index
    %swap3A_220 = arith.constant 0 : index
    %swap3A_221 = vector.load %arg7[%swap3A_219, %swap3A_220] : memref<10x1024xf32, #tpu.memory_space<vmem>>, vector<10x1024xf32>
    tpu.vector_store %arg7[%swap3A_219, %swap3A_220], %concatenate3A_218 {strides = array<i32>} : memref<10x1024xf32, #tpu.memory_space<vmem>>, vector<10x1024xf32>,
    %concatenate3A_222 = tpu.concatenate %broadcast_in_dim3A_65, %broadcast_in_dim3A_81, %broadcast_in_dim3A_98, %broadcast_in_dim3A_115, %broadcast_in_dim3A_132, %broadcast_in_dim3A_149, %broadcast_in_dim3A_166, %broadcast_in_dim3A_183, %broadcast_in_dim3A_200, %broadcast_in_dim3A_217 in 0 : vector<1x1024xi32>, vector<1x1024xi32>, vector<1x1024xi32>, vector<1x1024xi32>, vector<1x1024xi32>, vector<1x1024xi32>, vector<1x1024xi32>, vector<1x1024xi32>, vector<1x1024xi32>, vector<1x1024xi32> -> vector<10x1024xi32>
    %swap3A_223 = arith.constant 0 : index
    %swap3A_224 = arith.constant 0 : index
    %swap3A_225 = vector.load %arg8[%swap3A_223, %swap3A_224] : memref<10x1024xi32, #tpu.memory_space<vmem>>, vector<10x1024xi32>
    tpu.vector_store %arg8[%swap3A_223, %swap3A_224], %concatenate3A_222 {strides = array<i32>} : memref<10x1024xi32, #tpu.memory_space<vmem>>, vector<10x1024xi32>,
    %eq3A_226 = arith.constant 195 : i32
    %eq3A_227 = arith.cmpi eq, %arg0, %eq3A_226 : i32
    %convert_element_type3A_228 = arith.extui %eq3A_227 : i1 to i32
    %cond3A_229 = arith.constant 0 : i32
    %cond3A_230 = arith.cmpi ne, %convert_element_type3A_228, %cond3A_229 : i32
    scf.if %cond3A_230 {
      %get3A_231 = arith.constant 0 : index
      %get3A_232 = arith.constant 0 : index
      %get3A_233 = vector.load %arg7[%get3A_231, %get3A_232] : memref<10x1024xf32, #tpu.memory_space<vmem>>, vector<10x1024xf32>
      %sub3A = arith.constant 1.000000e+00 : f32
      %sub3A_234 = vector.broadcast %sub3A : f32 to vector<10x1024xf32>
      %sub3A_235 = arith.subf %sub3A_234, %get3A_233 : vector<10x1024xf32>
      %add3A_236 = arith.constant 1.1920929E-7 : f32
      %add3A_237 = vector.broadcast %add3A_236 : f32 to vector<10x1024xf32>
      %add3A_238 = arith.addf %sub3A_235, %add3A_237 : vector<10x1024xf32>
      %div3A_239 = arith.constant 1.000000e+00 : f32
      %div3A_240 = vector.broadcast %div3A_239 : f32 to vector<10x1024xf32>
      %div3A_241 = arith.divf %div3A_240, %add3A_238 : vector<10x1024xf32>
      %reduce_sum3A_242 = arith.constant dense<0.000000e+00> : vector<1024xf32>
      %reduce_sum3A_243 = vector.multi_reduction <add>, %div3A_241, %reduce_sum3A_242 [0] : vector<10x1024xf32> to vector<1024xf32>
      %broadcast_in_dim3A_244 = vector.shape_cast %reduce_sum3A_243 : vector<1024xf32> to vector<1x1024xf32>
      %div3A_245 = vector.broadcast %broadcast_in_dim3A_244 : vector<1x1024xf32> to vector<10x1024xf32>
      %div3A_246 = arith.divf %div3A_241, %div3A_245 : vector<10x1024xf32>
      %swap3A_247 = arith.constant 0 : index
      %swap3A_248 = arith.constant 0 : index
      %swap3A_249 = vector.load %arg3[%swap3A_247, %swap3A_248] : memref<10x1024xf32, #tpu.memory_space<vmem>>, vector<10x1024xf32>
      tpu.vector_store %arg3[%swap3A_247, %swap3A_248], %div3A_246 {strides = array<i32>} : memref<10x1024xf32, #tpu.memory_space<vmem>>, vector<10x1024xf32>,
      %get3A_250 = arith.constant 0 : index
      %get3A_251 = arith.constant 0 : index
      %get3A_252 = vector.load %arg8[%get3A_250, %get3A_251] : memref<10x1024xi32, #tpu.memory_space<vmem>>, vector<10x1024xi32>
      %swap3A_253 = arith.constant 0 : index
      %swap3A_254 = arith.constant 0 : index
      %swap3A_255 = vector.load %arg4[%swap3A_253, %swap3A_254] : memref<10x1024xi32, #tpu.memory_space<vmem>>, vector<10x1024xi32>
      tpu.vector_store %arg4[%swap3A_253, %swap3A_254], %get3A_252 {strides = array<i32>} : memref<10x1024xi32, #tpu.memory_space<vmem>>, vector<10x1024xi32>,
    } else {
    }
    return
  }
  func.func @transform_0(%arg0: i32) -> (i32, i32) {
    %c0_i32 = arith.constant 0 : i32
    %c0_i32_0 = arith.constant 0 : i32
    %c0_i32_1 = arith.constant 0 : i32
    return %c0_i32, %c0_i32_0 : i32, i32
  }
  func.func @transform_1(%arg0: i32) -> (i32, i32) {
    %c0_i32 = arith.constant 0 : i32
    %c0_i32_0 = arith.constant 0 : i32
    return %arg0, %c0_i32 : i32, i32
  }
  func.func @transform_2(%arg0: i32) -> (i32, i32) {
    %c0_i32 = arith.constant 0 : i32
    %c0_i32_0 = arith.constant 0 : i32
    %c0_i32_1 = arith.constant 0 : i32
    return %c0_i32, %c0_i32_0 : i32, i32
  }
  func.func @transform_3(%arg0: i32) -> (i32, i32) {
    %c0_i32 = arith.constant 0 : i32
    %c0_i32_0 = arith.constant 0 : i32
    %c0_i32_1 = arith.constant 0 : i32
    return %c0_i32, %c0_i32_0 : i32, i32
  }
}

module attributes {stable_mosaic.version = 14 : i64} {
  func.func @_combine_body(%arg0: memref<1024x10x256xf32, #tpu.memory_space<vmem>>, %arg1: memref<1024x10xf32, #tpu.memory_space<vmem>>, %arg2: memref<1024x256xf32, #tpu.memory_space<vmem>>) attributes {dimension_semantics = [], scalar_prefetch = 0 : i64, scratch_operands = 0 : i64, tpu.core_type = #tpu.core_type<tc>} {
    %get3A = arith.constant 0 : index
    %get3A_0 = arith.constant 0 : index
    %get3A_1 = arith.constant 0 : index
    %get3A_2 = vector.load %arg0[%get3A, %get3A_0, %get3A_1] : memref<1024x10x256xf32, #tpu.memory_space<vmem>>, vector<1024x10x256xf32>
    %get3A_3 = arith.constant 0 : index
    %get3A_4 = arith.constant 0 : index
    %get3A_5 = vector.load %arg1[%get3A_3, %get3A_4] : memref<1024x10xf32, #tpu.memory_space<vmem>>, vector<1024x10xf32>
    %broadcast_in_dim3A = vector.shape_cast %get3A_5 : vector<1024x10xf32> to vector<1024x10x1xf32>
    %mul3A = vector.broadcast %broadcast_in_dim3A : vector<1024x10x1xf32> to vector<1024x10x256xf32>
    %mul3A_6 = arith.mulf %mul3A, %get3A_2 : vector<1024x10x256xf32>
    %reduce_sum3A = arith.constant dense<0.000000e+00> : vector<1024x256xf32>
    %reduce_sum3A_7 = vector.multi_reduction <add>, %mul3A_6, %reduce_sum3A [1] : vector<1024x10x256xf32> to vector<1024x256xf32>
    %swap3A = arith.constant 0 : index
    %swap3A_8 = arith.constant 0 : index
    %swap3A_9 = vector.load %arg2[%swap3A, %swap3A_8] : memref<1024x256xf32, #tpu.memory_space<vmem>>, vector<1024x256xf32>
    tpu.vector_store %arg2[%swap3A, %swap3A_8], %reduce_sum3A_7 {strides = array<i32>} : memref<1024x256xf32, #tpu.memory_space<vmem>>, vector<1024x256xf32>,
    return
  }
}

</mosaic_0001>

<sc_bundles>
// kernel: kernel.5.cloned.1.call-start
scs
__scs_entry_jumppad:
0x0: {  	(pc) =	sbr.rel $0x88, $3  }
0x1: {  	(tag) =	ssettag $0x0;
	lr =	simm.s32 $0x1  }
0x2: {  	[smem:$0x3F9F] =	sst lr;
	_ =	strace $0xD0000000  }
0x3: {  	_ = 	snop  }
0x4: {  	_ = 	snop  }
0x5: {  	_ = 	snop  }
0x6: {  	_ = 	snop  }
0x7: {  	_ = 	snop  }
__scs_overlays_trampoline_lowered:
0x8: {  	[smem:$0x3FAE] =	sst s0  }
0x9: {  	[smem:$0x3FAF] =	sst s1  }
0xa: {  	[smem:$0x3FB0] =	sst s2  }
0xb: {  	[smem:$0x3FB1] =	sst s3  }
0xc: {  	[smem:$0x3FB2] =	sst s4  }
0xd: {  	[smem:$0x3FB3] =	sst s5  }
0xe: {  	[smem:$0x3FB4] =	sst s6  }
0xf: {  	[smem:$0x3FB5] =	sst s7  }
0x10: {  	[smem:$0x3FB6] =	sst s8  }
0x11: {  	[smem:$0x3FB7] =	sst s9;
	s0 =	simm.s32 @!p0 $0x0  }
0x12: {  	s1 =	sld [smem:$0x3F9D];
	s0 =	simm.s32 @p0 $0x1  }
0x13: {  	[smem:$0x3FB8] =	sst s0;
	s0 =	simm.s32 @!p1 $0x0  }
0x14: {  	s2 =	sld [smem:$0x3F9C];
	s0 =	simm.s32 @p1 $0x1  }
0x15: {  	[smem:$0x3FB9] =	sst s0;
	s0 =	simm.s32 @!p2 $0x0  }
0x16: {  	s3 =	sld [smem:$0x3FDB];
	s0 =	simm.s32 @p2 $0x1  }
0x17: {  	s4 =	simm.s32 $0x1BF5;
	[smem:$0x3FBB] =	sst s0  }
0x18: {  	s0 =	sld [smem:$0x3F9E];
	_ =	swait.ge [sflag:s4], $0x0  }
0x19: {  	s7 =	sld [smem:$0x3F9F]  }
0x1a: {  	s8 =	sadd.s32 $0xFFFFE003, lr  }
0x1b: {  	s9 =	sadd.s32 $0xFFFFFEF7, lr;
	s5 =	simm.s32 $0xFFFFFFFF;
	p2 =	slt.u32 s8, $0xFFFFF086  }
0x1c: {  	p1 =	slt.u32 s9, $0xF7A;
	s5 =	simm.s32 @!p2 $0x0  }
0x1d: {  	s5 =	simm.s32 @p1 $0x1;
	p0 =	seq.s32 s7, s2  }
0x1e: {  	s7 =	smul.u32 @!p0 $0xF7A, s2;
	p2 =	seq.s32 @!p0 s5, $0x0  }
0x1f: {  	s9 =	smul.u32 $0xF7A, s1;
	s8 =	simm.s32 @!p0 $0x1BF5;
	p2 =	por !p2, p0  }
0x20: {  	[sflag:s8] =	ssyncset.s32 @!p0 $0xFFFFF086;
	s6 =	sadd.s32 @!p0 s3, s7;
	s7 =	simm.s32 @!p0 $0x108  }
0x21: {  	s3 =	sadd.s32 s3, s9;
	s6 =	sadd.s32 @!p0 $0x88, s6;
	s7 =	simm.s32 @p2 $0x1082  }
0x22: {  	[simem:s7], [sflag:s8] =	dma.local @!p0 [hbm:s6], $0xF7A  }
0x23: {  	s9 =	sor.u32 $0xD0000000, s2;
	s6 =	simm.s32 $0x108;
	_ =	swait.ge @!p0 [sflag:s8], $0x0  }
0x24: {  	s3 =	sadd.s32 $0x88, s3;
	s6 =	simm.s32 @!p1 $0x1082;
	[sflag:s4] =	ssyncset.s32 $0xFFFFF086  }
0x25: {  	[simem:s6], [sflag:s4] =	dma.local [hbm:s3], $0xF7A  }
0x26: {  	[smem:$0x3F9F] =	sst s1;
	(tag) =	ssettag s2;
	_ =	strace s9  }
0x27: {  	s1 =	sld [smem:$0x3FAF]  }
0x28: {  	s2 =	sld [smem:$0x3FB0]  }
0x29: {  	s4 =	sld [smem:$0x3FB2]  }
0x2a: {  	p0 =	seq.s32 s5, $0x0;
	s5 =	sld [smem:$0x3FB3]  }
0x2b: {  	s6 =	sld [smem:$0x3FB4]  }
0x2c: {  	s7 =	sld [smem:$0x3FB5]  }
0x2d: {  	s3 =	simm.s32 $0x108;
	s8 =	sld [smem:$0x3FB6]  }
0x2e: {  	s3 =	simm.s32 @!p0 $0x1082;
	s9 =	sld [smem:$0x3FB7]  }
0x2f: {  	lr =	sadd.s32 s0, s3;
	s0 =	sld [smem:$0x3FAE]  }
0x30: {  	s3 =	sld [smem:$0x3FB1]  }
0x31: {  	[smem:$0x3FBA] =	sst s10  }
0x32: {  	s10 =	sld [smem:$0x3FB8];
	_ =	sdelay $0x3  }
0x33: {  	p0 =	seq.s32 s10, $0x1;
	s10 =	sld [smem:$0x3FBA];
	_ =	sdelay $0x3  }
0x34: {  	[smem:$0x3FBA] =	sst s10  }
0x35: {  	s10 =	sld [smem:$0x3FB9];
	_ =	sdelay $0x3  }
0x36: {  	p1 =	seq.s32 s10, $0x1;
	s10 =	sld [smem:$0x3FBA];
	_ =	sdelay $0x3  }
0x37: {  	[smem:$0x3FBA] =	sst s10  }
0x38: {  	s10 =	sld [smem:$0x3FBB]  }
0x39: {  	_ = 	snop;
	(pc) =	sbr.ind lr, $3  }
0x3a: {  	_ = 	snop  }
0x3b: {  	_ = 	snop  }
0x3c: {  	p2 =	seq.s32 s10, $0x1;
	s10 =	sld [smem:$0x3FBA]  }
0x3d: {  	_ =	shalt  }
0x3e: {  	_ =	shalt  }
0x3f: {  	_ =	shalt  }
0x40: {  	_ =	shalt  }
0x41: {  	_ =	shalt  }
0x42: {  	_ =	shalt  }
0x43: {  	_ =	shalt  }
0x44: {  	_ =	shalt  }
0x45: {  	_ =	shalt  }
0x46: {  	_ =	shalt  }
0x47: {  	_ =	shalt  }
0x48: {  	_ =	shalt  }
0x49: {  	_ =	shalt  }
0x4a: {  	_ =	shalt  }
0x4b: {  	_ =	shalt  }
0x4c: {  	_ =	shalt  }
0x4d: {  	_ =	shalt  }
0x4e: {  	_ =	shalt  }
0x4f: {  	_ =	shalt  }
0x50: {  	_ =	shalt  }
0x51: {  	_ =	shalt  }
0x52: {  	_ =	shalt  }
0x53: {  	_ =	shalt  }
0x54: {  	_ =	shalt  }
0x55: {  	_ =	shalt  }
0x56: {  	_ =	shalt  }
0x57: {  	_ =	shalt  }
0x58: {  	_ =	shalt  }
0x59: {  	_ =	shalt  }
0x5a: {  	_ =	shalt  }
0x5b: {  	_ =	shalt  }
0x5c: {  	_ =	shalt  }
0x5d: {  	_ =	shalt  }
0x5e: {  	_ =	shalt  }
0x5f: {  	_ =	shalt  }
0x60: {  	_ =	shalt  }
0x61: {  	_ =	shalt  }
0x62: {  	_ =	shalt  }
0x63: {  	_ =	shalt  }
0x64: {  	_ =	shalt  }
0x65: {  	_ =	shalt  }
0x66: {  	_ =	shalt  }
0x67: {  	_ =	shalt  }
0x68: {  	_ =	shalt  }
0x69: {  	_ =	shalt  }
0x6a: {  	_ =	shalt  }
0x6b: {  	_ =	shalt  }
0x6c: {  	_ =	shalt  }
0x6d: {  	_ =	shalt  }
0x6e: {  	_ =	shalt  }
0x6f: {  	_ =	shalt  }
0x70: {  	_ =	shalt  }
0x71: {  	_ =	shalt  }
0x72: {  	_ =	shalt  }
0x73: {  	_ =	shalt  }
0x74: {  	_ =	shalt  }
0x75: {  	_ =	shalt  }
0x76: {  	_ =	shalt  }
0x77: {  	_ =	shalt  }
0x78: {  	_ =	shalt  }
0x79: {  	_ =	shalt  }
0x7a: {  	_ =	shalt  }
0x7b: {  	_ =	shalt  }
0x7c: {  	_ =	shalt  }
0x7d: {  	_ =	shalt  }
0x7e: {  	_ =	shalt  }
0x7f: {  	_ =	shalt  }
0x80: {  	_ =	shalt  }
0x81: {  	_ =	shalt  }
0x82: {  	_ =	shalt  }
0x83: {  	_ =	shalt  }
0x84: {  	_ =	shalt  }
0x85: {  	_ =	shalt  }
0x86: {  	_ =	shalt  }
0x87: {  	_ =	shalt  }
.Lfunc_end0:
.L_simem_size_0:
called_computation_lowered:
.L_overlay_start_0:
0x88: {  	s2 =	sld [smem:$0x3FD9]  }
0x89: {  	s3 =	sld [smem:$0x3FFE];
	_ =	sdelay $0x1  }
0x8a: {  	s1 =	srdreg.scid  }
0x8b: {  	s0 =	sand.u32 $0x1, s1  }
0x8c: {  	s17 =	sshll.u32 s0, $0xA;
	s2 =	sadd.s32 s3, s2  }
0x8d: {  	s2 =	sadd.s32 s2, s17  }
0x8e: {  	[smem:$0x3FC6] =	sst s2  }
0x8f: {  	_ = 	snop  }
0x90: {  	s2 =	sld [smem:$0x3FC8]  }
0x91: {  	s18 =	sld [smem:$0x3FD0];
	(tm) =	ssettm $0x1  }
0x92: {  	s4 =	sld [smem:$0x3FFB];
	_ =	sdelay $0x3  }
0x93: {  	_ =	strace s4  }
0x94: {  	s4 =	sld [smem:$0x3FFC];
	_ =	sdelay $0x3  }
0x95: {  	_ =	strace s4  }
0x96: {  	s4 =	sld [smem:$0x3FFD];
	_ =	sdelay $0x3  }
0x97: {  	_ =	strace s4  }
0x98: {  	_ =	strace $0x8FFFFFFF  }
0x99: {  	s19 =	sld [smem:$0x3FDB];
	_ =	sdelay $0x1  }
0x9a: {  	s5 =	simm.s32 $_scs_section_size  }
0x9b: {  	s6 =	simm.s32 $_size__tile_overlayer_lowered;
	s7 =	simm.s32 $_tile_overlayer_lowered  }
0x9c: {  	s22 =	simm.s32 $0x1BFF;
	s21 =	sshll.u32 s7, $0x1;
	s4 =	sadd.s32 s5, s19  }
0x9d: {  	s8 =	simm.s32 $0x0;
	s20 =	sshll.u32 s6, $0x1;
	s6 =	sadd.s32 s21, s4  }
0x9e: {  	[timem:s8], [sflag:s22] =	dma.local [hbm:s6], s20  }
0x9f: {  	_ =	swait.ge [sflag:s22], s20  }
0xa0: {  	s5 =	ssub.s32 $0x0, s20;
	[sflag:s22] =	ssyncset.done $0x0  }
0xa1: {  	[sflag:s22] =	ssyncadd.s32 s5;
	_ =	sdelay $0x1  }
0xa2: {  	s23 =	simm.s32 $0x1B8B  }
0xa3: {  	_ =	swait.ge [sflag:s23], $0x1  }
0xa4: {  	[sflag:s23] =	ssyncset.done $0x0  }
0xa5: {  	s25 =	simm.s32 $0x1B8E;
	s24 =	sld [smem:$0x3FFE];
	[sflag:s23] =	ssyncadd.s32 $0xFFFFFFFF  }
0xa6: {  	s26 =	simm.s32 $execute0_lowered;
	[smem:$0x3FD2] =	sst s25  }
0xa7: {  	s6 =	sshll.u32 s26, $0x1;
	_ =	strace $0x80000046;
	[dreg:$0x1] =	wrdreg $0xFFFFFFFF  }
0xa8: {  	s28 =	simm.s32 $_size_execute0_lowered;
	s4 =	sadd.s32 s4, s6;
	[dreg:$0x0] =	wrdreg $0x0  }
0xa9: {  	s6 =	sshll.u32 s28, $0x1;
	[dreg:$0x2] =	wrdreg s4  }
0xaa: {  	[dreg:$0x3] =	wrdreg s6  }
0xab: {  	[dreg:$0x4] =	wrdreg $0xC0  }
0xac: {  	_ =	task [dreg:s8], $0x5FFFF  }
0xad: {  	[dreg:$0x1] =	wrdreg $0xFFFFFFFF  }
0xae: {  	[dreg:$0x0] =	wrdreg $0x60  }
0xaf: {  	[dreg:$0x2] =	wrdreg s2  }
0xb0: {  	[dreg:$0x3] =	wrdreg s18  }
0xb1: {  	[dreg:$0x4] =	wrdreg s24  }
0xb2: {  	[dreg:$0x5] =	wrdreg $0x9  }
0xb3: {  	_ =	task.clear_ibuf [dreg:s8], $0x6FFFF;
	_ =	strace $0x90000046  }
0xb4: {  	s29 =	simm.s32 $0x9;
	_ =	strace $0x80000048  }
0xb5: {  	_ =	swait.ge [sflag:s29], $0x1  }
0xb6: {  	[sflag:s29] =	ssyncadd.s32 $0xFFFFFFFF  }
0xb7: {  	_ =	strace $0x90000048  }
0xb8: {  	_ =	sfence  }
0xb9: {  	s30 =	sld [smem:$0x0];
	_ =	sdelay $0x2  }
0xba: {  	s31 =	sshll.u32 s1, $0xD;
	s1 =	sshrl.u32 s1, $0x2  }
0xbb: {  	s3 =	sand.u32 $0x4000, s31;
	s1 =	sadd.s32 s1, s30  }
0xbc: {  	s0 =	sor.u32 s3, s0;
	s1 =	sshll.u32 s1, $0x11  }
0xbd: {  	s0 =	sor.u32 s1, s0  }
0xbe: {  	s0 =	sadd.s32 $0x8F2B, s0  }
0xbf: {  	[sflag:s0] =	ssyncadd.remote.s32 $0x1  }
0xc0: {  	_ =	sfence.sel $0xFFFF  }
0xc1: {  	[dreg:$0x0] =	wrdreg $0xFFFFFFFF;
	(pc) =	sbr.abs _section_cstart, $3  }
0xc2: {  	[dreg:$0x1] =	wrdreg $0xFFFFFFFF  }
0xc3: {  	_ =	task.clear_ibuf [dreg:s8], $0x2FFFF;
	_ =	strace $0x9FFFFFFF  }
0xc4: {  	(tm) =	ssettm $0x7FFFFFFF  }
0xc5: {  	_ =	shalt  }
tec
execute0_lowered:
.L_overlay_start_1:
0x0: {  	(tag) =	ssettag $0x1  }
0x1: {  	s2 =	srdreg.scid  }
0x2: {  	s0 =	stileid.u32;
	s1 =	rddreg [dreg:$0x0]  }
0x3: {  	s4 =	rddreg [dreg:$0x1];
	s2 =	sand.u32 $0x1, s2;
	s3 =	sshll.u32 s0, $0x1  }
0x4: {  	s6 =	rddreg [dreg:$0x2];
	s5 =	sor.u32 s2, s3;
	s3 =	simm.s32 $0x0  }
0x5: {  	s11 =	simm.s32 $0x980;
	[smem:$0x7FF] =	sst s3  }
0x6: {  	s12 =	simm.s32 $0x1180;
	_ =	strace $0x80000047;
	[dreg:$0x6] =	wrdreg s11  }
0x7: {  	s13 =	simm.s32 $0x1980;
	[dreg:$0x7] =	wrdreg s12  }
0x8: {  	s14 =	simm.s32 $0x2180;
	[dreg:$0x8] =	wrdreg s13  }
0x9: {  	s15 =	simm.s32 $0x2980;
	s16 =	simm.s32 $0x3180;
	[dreg:$0x9] =	wrdreg s14  }
0xa: {  	s17 =	simm.s32 $0x3980;
	s18 =	simm.s32 $0x4180;
	[dreg:$0xa] =	wrdreg s15  }
0xb: {  	s19 =	simm.s32 $0x4980;
	s20 =	simm.s32 $0x5180;
	[dreg:$0xb] =	wrdreg s16  }
0xc: {  	s21 =	simm.s32 $0x5980;
	s23 =	simm.s32 $0x6180;
	[dreg:$0xc] =	wrdreg s17  }
0xd: {  	s24 =	simm.s32 $0x6980;
	s25 =	simm.s32 $0x7180;
	[dreg:$0xd] =	wrdreg s18  }
0xe: {  	s26 =	simm.s32 $0x7980;
	s8 =	simm.s32 $0x8980;
	[dreg:$0xe] =	wrdreg s19  }
0xf: {  	s9 =	simm.s32 $0x9180;
	s28 =	simm.s32 $0x12180;
	[dreg:$0xf] =	wrdreg s20  }
0x10: {  	s29 =	simm.s32 $0x12980;
	s30 =	simm.s32 $0x13180;
	[dreg:$0x10] =	wrdreg s21  }
0x11: {  	s31 =	simm.s32 $0x13980;
	s2 =	ssub.s32 $0x2, s2;
	[dreg:$0x11] =	wrdreg s23  }
0x12: {  	s7 =	smul.u32 $0x2800, s5;
	s22 =	sshrl.u32 s2, $0x1;
	[dreg:$0x12] =	wrdreg s24  }
0x13: {  	s5 =	smul.u32 $0x28, s5;
	s2 =	ssub.s32 s2, s22;
	[dreg:$0x13] =	wrdreg s25  }
0x14: {  	[dreg:$0x14] =	wrdreg s26;
	s11 =	simm.s32 $0xA180;
	s12 =	simm.s32 $0xA980  }
0x15: {  	s13 =	simm.s32 $0xB180;
	s14 =	simm.s32 $0xB980;
	s15 =	simm.s32 $0xC180  }
0x16: {  	s16 =	simm.s32 $0xC980;
	s17 =	simm.s32 $0xD180;
	s18 =	simm.s32 $0xD980  }
0x17: {  	s19 =	simm.s32 $0xE180;
	s20 =	simm.s32 $0xE980;
	s21 =	simm.s32 $0xF180  }
0x18: {  	s22 =	simm.s32 $0xF980;
	s23 =	simm.s32 $0x10180;
	s24 =	simm.s32 $0x10980  }
0x19: {  	s25 =	simm.s32 $0x11180;
	s26 =	simm.s32 $0x11980;
	s4 =	sadd.s32 s4, s5  }
0x1a: {  	v2 =	vlaneseq.u32;
	s6 =	sadd.s32 s7, s6;
	s5 =	simm.s32 $0x2;
	[dreg:$0x4] =	wrdreg s4  }
0x1b: {  	vm0 =	vmmov $0xffff;
	v1 =	vshrl.u32 v2, $0x3;
	s10 =	sadd.s32 $0x800, s6;
	s4 =	smax.u32 s2, $0x1;
	s6 =	simm.s32 $0x180  }
0x1c: {  	v0 =	vand.u32 $0x7, v2;
	v2 =	vor.u32 $0x8, v2;
	v1 =	vmul.u32 $0x8, v1;
	s2 =	simm.s32 $0x1;
	[dreg:$0x5] =	wrdreg s10;
	s10 =	simm.s32 $0x9980  }
.LBB2_1:
0x1d: {  	s0 =	rddreg [dreg:$0x4]  }
0x1e: {  	[tilespmem:s3], [sflag:$0x2] =	stream.linear.gather [hbm4b:s0+s3], $0x140, $0x38;
	[tilespmem:$0x14180] =	vst v63  }
0x1f: {  	_ =	swait.ge [sflag:s5], $0x140  }
0x20: {  	[sflag:s5] =	ssyncset.done $0x0  }
0x21: {  	[sflag:s5] =	ssyncadd.s32 $0xFFFFFEC0  }
0x22: {  	v3 =	vld [tilespmem:$0x0];
	_ =	sdelay $0x4  }
0x23: {  	v4 =	vshll.u32 v3, $0x1  }
0x24: {  	v3 =	vand.u32 $0x7, v3;
	v4 =	vand.u32 $0xFFFFFFF0, v4  }
0x25: {  	v3 =	vor.u32 v3, v4  }
0x26: {  	v4 =	vperm.xlane v3, v0;
	_ =	sdelay $0x1  }
0x27: {  	v3 =	vperm.xlane v3, v2;
	v4 =	vadd.s32 v1, v4;
	_ =	sdelay $0x1  }
0x28: {  	v3 =	vadd.s32 v1, v3;
	_ =	sdelay $0x2  }
0x29: {  	[tilespmem:s6], [sflag:$0x1] =	stream.indirect_vreg.gather [hbm4b:s1+s3], $0x80, v4, vm0, $0xb8;
	[tilespmem:$0x14180] =	vst v63  }
0x2a: {  	s7 =	rddreg [dreg:$0x6]  }
0x2b: {  	[tilespmem:s7], [sflag:$0x1] =	stream.indirect_vreg.gather [hbm4b:s1+s3], $0x80, v3, vm0, $0xb8;
	[tilespmem:$0x14180] =	vst v63  }
0x2c: {  	v3 =	vld [tilespmem:$0x10];
	_ =	sdelay $0x4  }
0x2d: {  	v45 =	vshll.u32 v3, $0x1  }
0x2e: {  	v3 =	vand.u32 $0x7, v3;
	v4 =	vand.u32 $0xFFFFFFF0, v45  }
0x2f: {  	v3 =	vor.u32 v3, v4  }
0x30: {  	v4 =	vperm.xlane v3, v0;
	_ =	sdelay $0x1  }
0x31: {  	v3 =	vperm.xlane v3, v2;
	v4 =	vadd.s32 v1, v4;
	_ =	sdelay $0x1  }
0x32: {  	v3 =	vadd.s32 v1, v3;
	_ =	sdelay $0x1  }
0x33: {  	s0 =	rddreg [dreg:$0x7]  }
0x34: {  	[tilespmem:s0], [sflag:$0x1] =	stream.indirect_vreg.gather [hbm4b:s1+s3], $0x80, v4, vm0, $0xb8;
	[tilespmem:$0x14180] =	vst v63  }
0x35: {  	s7 =	rddreg [dreg:$0x8]  }
0x36: {  	[tilespmem:s7], [sflag:$0x1] =	stream.indirect_vreg.gather [hbm4b:s1+s3], $0x80, v3, vm0, $0xb8;
	[tilespmem:$0x14180] =	vst v63  }
0x37: {  	v3 =	vld [tilespmem:$0x20];
	_ =	sdelay $0x4  }
0x38: {  	v46 =	vshll.u32 v3, $0x1  }
0x39: {  	v3 =	vand.u32 $0x7, v3;
	v4 =	vand.u32 $0xFFFFFFF0, v46  }
0x3a: {  	v3 =	vor.u32 v3, v4  }
0x3b: {  	v4 =	vperm.xlane v3, v0;
	_ =	sdelay $0x1  }
0x3c: {  	v3 =	vperm.xlane v3, v2;
	v4 =	vadd.s32 v1, v4;
	_ =	sdelay $0x1  }
0x3d: {  	v3 =	vadd.s32 v1, v3;
	_ =	sdelay $0x1  }
0x3e: {  	s0 =	rddreg [dreg:$0x9]  }
0x3f: {  	[tilespmem:s0], [sflag:$0x1] =	stream.indirect_vreg.gather [hbm4b:s1+s3], $0x80, v4, vm0, $0xb8;
	[tilespmem:$0x14180] =	vst v63  }
0x40: {  	s7 =	rddreg [dreg:$0xa]  }
0x41: {  	[tilespmem:s7], [sflag:$0x1] =	stream.indirect_vreg.gather [hbm4b:s1+s3], $0x80, v3, vm0, $0xb8;
	[tilespmem:$0x14180] =	vst v63  }
0x42: {  	v3 =	vld [tilespmem:$0x30];
	_ =	sdelay $0x4  }
0x43: {  	v47 =	vshll.u32 v3, $0x1  }
0x44: {  	v3 =	vand.u32 $0x7, v3;
	v4 =	vand.u32 $0xFFFFFFF0, v47  }
0x45: {  	v3 =	vor.u32 v3, v4  }
0x46: {  	v4 =	vperm.xlane v3, v0;
	_ =	sdelay $0x1  }
0x47: {  	v3 =	vperm.xlane v3, v2;
	v4 =	vadd.s32 v1, v4;
	_ =	sdelay $0x1  }
0x48: {  	v3 =	vadd.s32 v1, v3;
	_ =	sdelay $0x1  }
0x49: {  	s0 =	rddreg [dreg:$0xb]  }
0x4a: {  	[tilespmem:s0], [sflag:$0x1] =	stream.indirect_vreg.gather [hbm4b:s1+s3], $0x80, v4, vm0, $0xb8;
	[tilespmem:$0x14180] =	vst v63  }
0x4b: {  	s7 =	rddreg [dreg:$0xc]  }
0x4c: {  	[tilespmem:s7], [sflag:$0x1] =	stream.indirect_vreg.gather [hbm4b:s1+s3], $0x80, v3, vm0, $0xb8;
	[tilespmem:$0x14180] =	vst v63  }
0x4d: {  	v3 =	vld [tilespmem:$0x40];
	_ =	sdelay $0x4  }
0x4e: {  	v48 =	vshll.u32 v3, $0x1  }
0x4f: {  	v3 =	vand.u32 $0x7, v3;
	v4 =	vand.u32 $0xFFFFFFF0, v48  }
0x50: {  	v3 =	vor.u32 v3, v4  }
0x51: {  	v4 =	vperm.xlane v3, v0;
	_ =	sdelay $0x1  }
0x52: {  	v3 =	vperm.xlane v3, v2;
	v4 =	vadd.s32 v1, v4;
	_ =	sdelay $0x1  }
0x53: {  	v3 =	vadd.s32 v1, v3;
	_ =	sdelay $0x1  }
0x54: {  	s0 =	rddreg [dreg:$0xd]  }
0x55: {  	[tilespmem:s0], [sflag:$0x1] =	stream.indirect_vreg.gather [hbm4b:s1+s3], $0x80, v4, vm0, $0xb8;
	[tilespmem:$0x14180] =	vst v63  }
0x56: {  	s7 =	rddreg [dreg:$0xe]  }
0x57: {  	[tilespmem:s7], [sflag:$0x1] =	stream.indirect_vreg.gather [hbm4b:s1+s3], $0x80, v3, vm0, $0xb8;
	[tilespmem:$0x14180] =	vst v63  }
0x58: {  	v3 =	vld [tilespmem:$0x50];
	_ =	sdelay $0x4  }
0x59: {  	v49 =	vshll.u32 v3, $0x1  }
0x5a: {  	v3 =	vand.u32 $0x7, v3;
	v4 =	vand.u32 $0xFFFFFFF0, v49  }
0x5b: {  	v3 =	vor.u32 v3, v4  }
0x5c: {  	v4 =	vperm.xlane v3, v0;
	_ =	sdelay $0x1  }
0x5d: {  	v3 =	vperm.xlane v3, v2;
	v4 =	vadd.s32 v1, v4;
	_ =	sdelay $0x1  }
0x5e: {  	v3 =	vadd.s32 v1, v3;
	_ =	sdelay $0x1  }
0x5f: {  	s0 =	rddreg [dreg:$0xf]  }
0x60: {  	[tilespmem:s0], [sflag:$0x1] =	stream.indirect_vreg.gather [hbm4b:s1+s3], $0x80, v4, vm0, $0xb8;
	[tilespmem:$0x14180] =	vst v63  }
0x61: {  	s7 =	rddreg [dreg:$0x10]  }
0x62: {  	[tilespmem:s7], [sflag:$0x1] =	stream.indirect_vreg.gather [hbm4b:s1+s3], $0x80, v3, vm0, $0xb8;
	[tilespmem:$0x14180] =	vst v63  }
0x63: {  	v3 =	vld [tilespmem:$0x60];
	_ =	sdelay $0x4  }
0x64: {  	v50 =	vshll.u32 v3, $0x1  }
0x65: {  	v3 =	vand.u32 $0x7, v3;
	v4 =	vand.u32 $0xFFFFFFF0, v50  }
0x66: {  	v3 =	vor.u32 v3, v4  }
0x67: {  	v4 =	vperm.xlane v3, v0;
	_ =	sdelay $0x1  }
0x68: {  	v3 =	vperm.xlane v3, v2;
	v4 =	vadd.s32 v1, v4;
	_ =	sdelay $0x1  }
0x69: {  	v3 =	vadd.s32 v1, v3;
	_ =	sdelay $0x1  }
0x6a: {  	s0 =	rddreg [dreg:$0x11]  }
0x6b: {  	[tilespmem:s0], [sflag:$0x1] =	stream.indirect_vreg.gather [hbm4b:s1+s3], $0x80, v4, vm0, $0xb8;
	[tilespmem:$0x14180] =	vst v63  }
0x6c: {  	s7 =	rddreg [dreg:$0x12]  }
0x6d: {  	[tilespmem:s7], [sflag:$0x1] =	stream.indirect_vreg.gather [hbm4b:s1+s3], $0x80, v3, vm0, $0xb8;
	[tilespmem:$0x14180] =	vst v63  }
0x6e: {  	v3 =	vld [tilespmem:$0x70];
	_ =	sdelay $0x4  }
0x6f: {  	v51 =	vshll.u32 v3, $0x1  }
0x70: {  	v3 =	vand.u32 $0x7, v3;
	v4 =	vand.u32 $0xFFFFFFF0, v51  }
0x71: {  	v3 =	vor.u32 v3, v4  }
0x72: {  	v4 =	vperm.xlane v3, v0;
	_ =	sdelay $0x1  }
0x73: {  	v3 =	vperm.xlane v3, v2;
	v4 =	vadd.s32 v1, v4;
	_ =	sdelay $0x1  }
0x74: {  	v3 =	vadd.s32 v1, v3;
	_ =	sdelay $0x1  }
0x75: {  	s0 =	rddreg [dreg:$0x13]  }
0x76: {  	[tilespmem:s0], [sflag:$0x1] =	stream.indirect_vreg.gather [hbm4b:s1+s3], $0x80, v4, vm0, $0xb8;
	[tilespmem:$0x14180] =	vst v63  }
0x77: {  	s7 =	rddreg [dreg:$0x14]  }
0x78: {  	[tilespmem:s7], [sflag:$0x1] =	stream.indirect_vreg.gather [hbm4b:s1+s3], $0x80, v3, vm0, $0xb8;
	[tilespmem:$0x14180] =	vst v63  }
0x79: {  	v3 =	vld [tilespmem:$0x80];
	_ =	sdelay $0x4  }
0x7a: {  	v52 =	vshll.u32 v3, $0x1  }
0x7b: {  	v3 =	vand.u32 $0x7, v3;
	v4 =	vand.u32 $0xFFFFFFF0, v52  }
0x7c: {  	v3 =	vor.u32 v3, v4  }
0x7d: {  	v4 =	vperm.xlane v3, v0;
	_ =	sdelay $0x1  }
0x7e: {  	v3 =	vperm.xlane v3, v2;
	v4 =	vadd.s32 v1, v4;
	_ =	sdelay $0x1  }
0x7f: {  	v3 =	vadd.s32 v1, v3;
	_ =	sdelay $0x1  }
0x80: {  	s7 =	simm.s32 $0x8180  }
0x81: {  	[tilespmem:s7], [sflag:$0x1] =	stream.indirect_vreg.gather [hbm4b:s1+s3], $0x80, v4, vm0, $0xb8;
	[tilespmem:$0x14180] =	vst v63  }
0x82: {  	_ = 	snop  }
0x83: {  	[tilespmem:s8], [sflag:$0x1] =	stream.indirect_vreg.gather [hbm4b:s1+s3], $0x80, v3, vm0, $0xb8;
	[tilespmem:$0x14180] =	vst v63  }
0x84: {  	v3 =	vld [tilespmem:$0x90];
	_ =	sdelay $0x4  }
0x85: {  	v53 =	vshll.u32 v3, $0x1  }
0x86: {  	v3 =	vand.u32 $0x7, v3;
	v4 =	vand.u32 $0xFFFFFFF0, v53  }
0x87: {  	v3 =	vor.u32 v3, v4  }
0x88: {  	v4 =	vperm.xlane v3, v0;
	_ =	sdelay $0x1  }
0x89: {  	v3 =	vperm.xlane v3, v2;
	v4 =	vadd.s32 v1, v4;
	_ =	sdelay $0x1  }
0x8a: {  	v3 =	vadd.s32 v1, v3;
	_ =	sdelay $0x2  }
0x8b: {  	[tilespmem:s9], [sflag:$0x1] =	stream.indirect_vreg.gather [hbm4b:s1+s3], $0x80, v4, vm0, $0xb8;
	[tilespmem:$0x14180] =	vst v63  }
0x8c: {  	_ = 	snop  }
0x8d: {  	[tilespmem:s10], [sflag:$0x1] =	stream.indirect_vreg.gather [hbm4b:s1+s3], $0x80, v3, vm0, $0xb8;
	[tilespmem:$0x14180] =	vst v63  }
0x8e: {  	v3 =	vld [tilespmem:$0xA0];
	_ =	sdelay $0x4  }
0x8f: {  	v54 =	vshll.u32 v3, $0x1  }
0x90: {  	v3 =	vand.u32 $0x7, v3;
	v4 =	vand.u32 $0xFFFFFFF0, v54  }
0x91: {  	v3 =	vor.u32 v3, v4  }
0x92: {  	v4 =	vperm.xlane v3, v0;
	_ =	sdelay $0x1  }
0x93: {  	v3 =	vperm.xlane v3, v2;
	v4 =	vadd.s32 v1, v4;
	_ =	sdelay $0x1  }
0x94: {  	v3 =	vadd.s32 v1, v3;
	_ =	sdelay $0x2  }
0x95: {  	[tilespmem:s11], [sflag:$0x1] =	stream.indirect_vreg.gather [hbm4b:s1+s3], $0x80, v4, vm0, $0xb8;
	[tilespmem:$0x14180] =	vst v63  }
0x96: {  	_ = 	snop  }
0x97: {  	[tilespmem:s12], [sflag:$0x1] =	stream.indirect_vreg.gather [hbm4b:s1+s3], $0x80, v3, vm0, $0xb8;
	[tilespmem:$0x14180] =	vst v63  }
0x98: {  	v3 =	vld [tilespmem:$0xB0];
	_ =	sdelay $0x4  }
0x99: {  	v55 =	vshll.u32 v3, $0x1  }
0x9a: {  	v3 =	vand.u32 $0x7, v3;
	v4 =	vand.u32 $0xFFFFFFF0, v55  }
0x9b: {  	v3 =	vor.u32 v3, v4  }
0x9c: {  	v4 =	vperm.xlane v3, v0;
	_ =	sdelay $0x1  }
0x9d: {  	v3 =	vperm.xlane v3, v2;
	v4 =	vadd.s32 v1, v4;
	_ =	sdelay $0x1  }
0x9e: {  	v3 =	vadd.s32 v1, v3;
	_ =	sdelay $0x2  }
0x9f: {  	[tilespmem:s13], [sflag:$0x1] =	stream.indirect_vreg.gather [hbm4b:s1+s3], $0x80, v4, vm0, $0xb8;
	[tilespmem:$0x14180] =	vst v63  }
0xa0: {  	_ = 	snop  }
0xa1: {  	[tilespmem:s14], [sflag:$0x1] =	stream.indirect_vreg.gather [hbm4b:s1+s3], $0x80, v3, vm0, $0xb8;
	[tilespmem:$0x14180] =	vst v63  }
0xa2: {  	v3 =	vld [tilespmem:$0xC0];
	_ =	sdelay $0x4  }
0xa3: {  	v56 =	vshll.u32 v3, $0x1  }
0xa4: {  	v3 =	vand.u32 $0x7, v3;
	v4 =	vand.u32 $0xFFFFFFF0, v56  }
0xa5: {  	v3 =	vor.u32 v3, v4  }
0xa6: {  	v4 =	vperm.xlane v3, v0;
	_ =	sdelay $0x1  }
0xa7: {  	v3 =	vperm.xlane v3, v2;
	v4 =	vadd.s32 v1, v4;
	_ =	sdelay $0x1  }
0xa8: {  	v3 =	vadd.s32 v1, v3;
	_ =	sdelay $0x2  }
0xa9: {  	[tilespmem:s15], [sflag:$0x1] =	stream.indirect_vreg.gather [hbm4b:s1+s3], $0x80, v4, vm0, $0xb8;
	[tilespmem:$0x14180] =	vst v63  }
0xaa: {  	_ = 	snop  }
0xab: {  	[tilespmem:s16], [sflag:$0x1] =	stream.indirect_vreg.gather [hbm4b:s1+s3], $0x80, v3, vm0, $0xb8;
	[tilespmem:$0x14180] =	vst v63  }
0xac: {  	v3 =	vld [tilespmem:$0xD0];
	_ =	sdelay $0x4  }
0xad: {  	v57 =	vshll.u32 v3, $0x1  }
0xae: {  	v3 =	vand.u32 $0x7, v3;
	v4 =	vand.u32 $0xFFFFFFF0, v57  }
0xaf: {  	v3 =	vor.u32 v3, v4  }
0xb0: {  	v4 =	vperm.xlane v3, v0;
	_ =	sdelay $0x1  }
0xb1: {  	v3 =	vperm.xlane v3, v2;
	v4 =	vadd.s32 v1, v4;
	_ =	sdelay $0x1  }
0xb2: {  	v3 =	vadd.s32 v1, v3;
	_ =	sdelay $0x2  }
0xb3: {  	[tilespmem:s17], [sflag:$0x1] =	stream.indirect_vreg.gather [hbm4b:s1+s3], $0x80, v4, vm0, $0xb8;
	[tilespmem:$0x14180] =	vst v63  }
0xb4: {  	_ = 	snop  }
0xb5: {  	[tilespmem:s18], [sflag:$0x1] =	stream.indirect_vreg.gather [hbm4b:s1+s3], $0x80, v3, vm0, $0xb8;
	[tilespmem:$0x14180] =	vst v63  }
0xb6: {  	v3 =	vld [tilespmem:$0xE0];
	_ =	sdelay $0x4  }
0xb7: {  	v58 =	vshll.u32 v3, $0x1  }
0xb8: {  	v3 =	vand.u32 $0x7, v3;
	v4 =	vand.u32 $0xFFFFFFF0, v58  }
0xb9: {  	v3 =	vor.u32 v3, v4  }
0xba: {  	v4 =	vperm.xlane v3, v0;
	_ =	sdelay $0x1  }
0xbb: {  	v3 =	vperm.xlane v3, v2;
	v4 =	vadd.s32 v1, v4;
	_ =	sdelay $0x1  }
0xbc: {  	v3 =	vadd.s32 v1, v3;
	_ =	sdelay $0x2  }
0xbd: {  	[tilespmem:s19], [sflag:$0x1] =	stream.indirect_vreg.gather [hbm4b:s1+s3], $0x80, v4, vm0, $0xb8;
	[tilespmem:$0x14180] =	vst v63  }
0xbe: {  	_ = 	snop  }
0xbf: {  	[tilespmem:s20], [sflag:$0x1] =	stream.indirect_vreg.gather [hbm4b:s1+s3], $0x80, v3, vm0, $0xb8;
	[tilespmem:$0x14180] =	vst v63  }
0xc0: {  	v3 =	vld [tilespmem:$0xF0];
	_ =	sdelay $0x4  }
0xc1: {  	v59 =	vshll.u32 v3, $0x1  }
0xc2: {  	v3 =	vand.u32 $0x7, v3;
	v4 =	vand.u32 $0xFFFFFFF0, v59  }
0xc3: {  	v3 =	vor.u32 v3, v4  }
0xc4: {  	v4 =	vperm.xlane v3, v0;
	_ =	sdelay $0x1  }
0xc5: {  	v3 =	vperm.xlane v3, v2;
	v4 =	vadd.s32 v1, v4;
	_ =	sdelay $0x1  }
0xc6: {  	v3 =	vadd.s32 v1, v3;
	_ =	sdelay $0x2  }
0xc7: {  	[tilespmem:s21], [sflag:$0x1] =	stream.indirect_vreg.gather [hbm4b:s1+s3], $0x80, v4, vm0, $0xb8;
	[tilespmem:$0x14180] =	vst v63  }
0xc8: {  	_ = 	snop  }
0xc9: {  	[tilespmem:s22], [sflag:$0x1] =	stream.indirect_vreg.gather [hbm4b:s1+s3], $0x80, v3, vm0, $0xb8;
	[tilespmem:$0x14180] =	vst v63  }
0xca: {  	v3 =	vld [tilespmem:$0x100];
	_ =	sdelay $0x4  }
0xcb: {  	v60 =	vshll.u32 v3, $0x1  }
0xcc: {  	v3 =	vand.u32 $0x7, v3;
	v4 =	vand.u32 $0xFFFFFFF0, v60  }
0xcd: {  	v3 =	vor.u32 v3, v4  }
0xce: {  	v4 =	vperm.xlane v3, v0;
	_ =	sdelay $0x1  }
0xcf: {  	v3 =	vperm.xlane v3, v2;
	v4 =	vadd.s32 v1, v4;
	_ =	sdelay $0x1  }
0xd0: {  	v3 =	vadd.s32 v1, v3;
	_ =	sdelay $0x2  }
0xd1: {  	[tilespmem:s23], [sflag:$0x1] =	stream.indirect_vreg.gather [hbm4b:s1+s3], $0x80, v4, vm0, $0xb8;
	[tilespmem:$0x14180] =	vst v63  }
0xd2: {  	_ = 	snop  }
0xd3: {  	[tilespmem:s24], [sflag:$0x1] =	stream.indirect_vreg.gather [hbm4b:s1+s3], $0x80, v3, vm0, $0xb8;
	[tilespmem:$0x14180] =	vst v63  }
0xd4: {  	v3 =	vld [tilespmem:$0x110];
	_ =	sdelay $0x4  }
0xd5: {  	v61 =	vshll.u32 v3, $0x1  }
0xd6: {  	v3 =	vand.u32 $0x7, v3;
	v4 =	vand.u32 $0xFFFFFFF0, v61  }
0xd7: {  	v3 =	vor.u32 v3, v4  }
0xd8: {  	v4 =	vperm.xlane v3, v0;
	_ =	sdelay $0x1  }
0xd9: {  	v3 =	vperm.xlane v3, v2;
	v4 =	vadd.s32 v1, v4;
	_ =	sdelay $0x1  }
0xda: {  	v3 =	vadd.s32 v1, v3;
	_ =	sdelay $0x2  }
0xdb: {  	[tilespmem:s25], [sflag:$0x1] =	stream.indirect_vreg.gather [hbm4b:s1+s3], $0x80, v4, vm0, $0xb8;
	[tilespmem:$0x14180] =	vst v63  }
0xdc: {  	_ = 	snop  }
0xdd: {  	[tilespmem:s26], [sflag:$0x1] =	stream.indirect_vreg.gather [hbm4b:s1+s3], $0x80, v3, vm0, $0xb8;
	[tilespmem:$0x14180] =	vst v63  }
0xde: {  	v3 =	vld [tilespmem:$0x120];
	_ =	sdelay $0x4  }
0xdf: {  	v62 =	vshll.u32 v3, $0x1  }
0xe0: {  	v3 =	vand.u32 $0x7, v3;
	v4 =	vand.u32 $0xFFFFFFF0, v62  }
0xe1: {  	v3 =	vor.u32 v3, v4  }
0xe2: {  	v4 =	vperm.xlane v3, v0;
	_ =	sdelay $0x1  }
0xe3: {  	v3 =	vperm.xlane v3, v2;
	v4 =	vadd.s32 v1, v4;
	_ =	sdelay $0x1  }
0xe4: {  	v3 =	vadd.s32 v1, v3;
	_ =	sdelay $0x2  }
0xe5: {  	[tilespmem:s28], [sflag:$0x1] =	stream.indirect_vreg.gather [hbm4b:s1+s3], $0x80, v4, vm0, $0xb8;
	[tilespmem:$0x14180] =	vst v63  }
0xe6: {  	_ = 	snop  }
0xe7: {  	[tilespmem:s29], [sflag:$0x1] =	stream.indirect_vreg.gather [hbm4b:s1+s3], $0x80, v3, vm0, $0xb8;
	[tilespmem:$0x14180] =	vst v63  }
0xe8: {  	v3 =	vld [tilespmem:$0x130];
	_ =	sdelay $0x4  }
0xe9: {  	v63 =	vshll.u32 v3, $0x1  }
0xea: {  	v3 =	vand.u32 $0x7, v3;
	v4 =	vand.u32 $0xFFFFFFF0, v63  }
0xeb: {  	v3 =	vor.u32 v3, v4  }
0xec: {  	v4 =	vperm.xlane v3, v0;
	_ =	sdelay $0x1  }
0xed: {  	v3 =	vperm.xlane v3, v2;
	v4 =	vadd.s32 v1, v4;
	_ =	sdelay $0x1  }
0xee: {  	v3 =	vadd.s32 v1, v3;
	_ =	sdelay $0x2  }
0xef: {  	[tilespmem:s30], [sflag:$0x1] =	stream.indirect_vreg.gather [hbm4b:s1+s3], $0x80, v4, vm0, $0xb8;
	[tilespmem:$0x14180] =	vst v63  }
0xf0: {  	_ = 	snop  }
0xf1: {  	[tilespmem:s31], [sflag:$0x1] =	stream.indirect_vreg.gather [hbm4b:s1+s3], $0x80, v3, vm0, $0xb8;
	[tilespmem:$0x14180] =	vst v63  }
0xf2: {  	_ =	swait.ge [sflag:s2], $0x14000  }
0xf3: {  	p0 =	sne.s32 s4, $0x1;
	[sflag:s2] =	ssyncset.done $0x0  }
.Ltmp0:
0xf4: {  	s7 =	rddreg [dreg:$0x5];
	[sflag:s2] =	ssyncadd.s32 $0xFFFEC000;
	(pc) =	sbr.rel @p0 .LBB2_1-.Ltmp0, $4  }
0xf5: {  	[hbm4b:s7+s3] =	stream.linear.scatter [tilespmem:s6], [sflag:$0x2], $0x14000, $0x38;
	[tilespmem:$0x14180] =	vst v63  }
0xf6: {  	_ =	swait.ge [sflag:s5], $0x14000  }
0xf7: {  	[sflag:s5] =	ssyncset.done $0x0  }
0xf8: {  	s4 =	sadd.s32 $0xFFFFFFFF, s4;
	[sflag:s5] =	ssyncadd.s32 $0xFFFEC000  }
0xf9: {  	_ =	sfence.sel $0x180000  }
0xfa: {  	[bflag:$0x0] =	sbarrier.arrive $0xFFFF  }
0xfb: {  	_ =	strace $0x90000047  }
0xfc: {  	s0 =	stileid.u32;
	[bflag:$0x2] =	sbarrier.arrive $0xFFFF  }
0xfd: {  	p0 =	sne.s32 s0, $0x0;
	s0 =	rddreg [dreg:$0x3]  }
0xfe: {  	s0 =	sadd.s32 @!p0 $0x100000, s0  }
0xff: {  	[sflag:s0] =	ssyncadd.tile.s32 @!p0 $0x1;
	_ =	shalt  }
.Lfunc_end2:
_tile_overlayer_lowered:
.L_overlay_start_2:
0x100: {  	(tag) =	ssettag $0x2  }
0x101: {  	s0 =	rddreg [dreg:$0x0];
	s2 =	stileid.u32  }
0x102: {  	s1 =	rddreg [dreg:$0x1];
	p0 =	sne.s32 s2, $0x0  }
0x103: {  	s3 =	rddreg [dreg:$0x2];
	[bflag:$0x3] =	sbarrier.arrive $0xFFFF;
	s2 =	simm.s32 @!p0 $0x1C02  }
0x104: {  	[timem:s3], [sflag:s2] =	dma.local @!p0 [hbm:s0], s1  }
0x105: {  	s0 =	simm.s32 @!p0 $0x2  }
0x106: {  	_ =	swait.ge @!p0 [sflag:s0], s1  }
0x107: {  	s1 =	ssub.s32 @!p0 $0x0, s1;
	[sflag:s0] =	ssyncset.done @!p0 $0x0  }
0x108: {  	[sflag:s0] =	ssyncadd.s32 @!p0 s1  }
0x109: {  	[bflag:$0x3] =	sbarrier.arrive $0xFFFF  }
0x10a: {  	_ =	shalt  }

</sc_bundles>
